<compile_context>
chip_gen: v7x
topology: tpu7x:2x2x1
jax: 0.10.2.dev20260603
libtpu: 0.0.44.dev20260713+nightly
codegen_flags: <defaults>
</compile_context>

<pallas_src>
import functools

import jax
import jax.numpy as jnp
from jax import lax
from jax.experimental import pallas as pl
from jax.experimental.pallas import tpu as pltpu
from jax.experimental.pallas import tpu_sc as plsc

N = 10000
F = 16
FD = 8
NC = 2
NS = 16
NW = NC * NS
ROWS_PER_TILE = N // NS
C = 125
CH = 80
NB = 4
E = 320000
TC_BLK = 5000
_SC_PARAMS = pltpu.CompilerParams(use_tc_tiling_on_sc=False)


def _zero_acc(zeros_hbm, acc, s):
    base = s * ROWS_PER_TILE
    pltpu.sync_copy(zeros_hbm.at[pl.ds(base, ROWS_PER_TILE)],
                    acc.at[pl.ds(base, ROWS_PER_TILE)])


def _writeback(out_hbm, acc, c, s):
    base = s * ROWS_PER_TILE
    pltpu.sync_copy(acc.at[pl.ds(base, ROWS_PER_TILE)],
                    out_hbm.at[c, pl.ds(base, ROWS_PER_TILE)])


@functools.partial(
    pl.kernel,
    out_type=jax.ShapeDtypeStruct((NC, N, FD), jnp.float32),
    mesh=plsc.VectorSubcoreMesh(core_axis_name="c", subcore_axis_name="s"),
    compiler_params=_SC_PARAMS,
    scratch_types=[
        pltpu.VMEM_SHARED((N, FD), jnp.float32),
        pltpu.VMEM((C, FD), jnp.float32),
        pltpu.VMEM((CH, C), jnp.int32),
        pltpu.SemaphoreType.DMA,
        [pltpu.SemaphoreType.DMA] * NB,
    ],
)
def _deg_kernel(dst_hbm, zeros_hbm, ones_hbm, out_hbm, acc, ones_v, dstb, sem_e, sems):
    c = lax.axis_index("c")
    s = lax.axis_index("s")
    wid = s * NC + c
    ld = pltpu.async_copy(dst_hbm.at[wid], dstb, sem_e)
    _zero_acc(zeros_hbm, acc, s)
    pltpu.sync_copy(ones_hbm, ones_v)
    plsc.subcore_barrier()
    ld.wait()

    def grp(t, _):
        for p in range(NB):
            k = NB * t + p

            @pl.when(t > 0)
            def _():
                pltpu.make_async_copy(ones_v, acc.at[dstb.at[k - NB]], sems[p]).wait()

            pltpu.async_copy(ones_v, acc.at[dstb.at[k]], sems[p], add=True)
        return ()

    lax.fori_loop(0, CH // NB, grp, ())
    for p in range(NB):
        pltpu.make_async_copy(ones_v, acc.at[dstb.at[CH - NB + p]], sems[p]).wait()
    plsc.subcore_barrier()
    _writeback(out_hbm, acc, c, s)


def _make_edge_kernel(W):
    @functools.partial(
        pl.kernel,
        out_type=jax.ShapeDtypeStruct((NC, N, W), jnp.float32),
        mesh=plsc.VectorSubcoreMesh(core_axis_name="c", subcore_axis_name="s"),
        compiler_params=_SC_PARAMS,
        scratch_types=[
            pltpu.VMEM_SHARED((N, W), jnp.float32),
            pltpu.VMEM_SHARED((N, W), jnp.float32),
            [pltpu.VMEM((C, W), jnp.float32)] * NB,
            pltpu.VMEM((CH, C), jnp.int32),
            pltpu.VMEM((CH, C), jnp.int32),
            pltpu.SemaphoreType.DMA,
            pltpu.SemaphoreType.DMA,
            [pltpu.SemaphoreType.DMA] * NB,
            [pltpu.SemaphoreType.DMA] * NB,
        ],
    )
    def edge_kernel(table_hbm, zeros_hbm, src_hbm, dst_hbm, out_hbm,
                    acc, tbl, rows, srcb, dstb, sem_s, sem_d, semg, sems):
        c = lax.axis_index("c")
        s = lax.axis_index("s")
        wid = s * NC + c
        base = s * ROWS_PER_TILE
        lds = pltpu.async_copy(src_hbm.at[wid], srcb, sem_s)
        ldd = pltpu.async_copy(dst_hbm.at[wid], dstb, sem_d)
        _zero_acc(zeros_hbm, acc, s)
        pltpu.sync_copy(table_hbm.at[pl.ds(base, ROWS_PER_TILE)],
                        tbl.at[pl.ds(base, ROWS_PER_TILE)])
        plsc.subcore_barrier()
        lds.wait()
        ldd.wait()

        def grp(t, _):
            for p in range(NB):
                k = NB * t + p

                @pl.when(t > 0)
                def _():
                    pltpu.make_async_copy(rows[p], acc.at[dstb.at[k - NB]], sems[p]).wait()

                pltpu.async_copy(tbl.at[srcb.at[k]], rows[p], semg[p])
            for p in range(NB):
                k = NB * t + p
                pltpu.make_async_copy(tbl.at[srcb.at[k]], rows[p], semg[p]).wait()
                pltpu.async_copy(rows[p], acc.at[dstb.at[k]], sems[p], add=True)
            return ()

        lax.fori_loop(0, CH // NB, grp, ())
        for p in range(NB):
            pltpu.make_async_copy(rows[p], acc.at[dstb.at[CH - NB + p]], sems[p]).wait()
        plsc.subcore_barrier()
        _writeback(out_hbm, acc, c, s)

    return edge_kernel


_edge_kernel = _make_edge_kernel(F)
_edge_kernel8 = _make_edge_kernel(FD)


def _tc1_body(x_ref, w1_ref, degp_ref, h1s_ref, dis_ref):
    deg = degp_ref[0, :, 0] + degp_ref[1, :, 0] + 1.0
    dis = lax.rsqrt(deg)
    h = jnp.dot(x_ref[...], w1_ref[...], preferred_element_type=jnp.float32)
    dis16 = jnp.broadcast_to(dis[:, None], (TC_BLK, F))
    h1s_ref[...] = h * dis16
    dis_ref[...] = dis16


def _tc2_body(p_ref, h1s_ref, dis_ref, b1_ref, w2_ref, out_ref):
    dis16 = dis_ref[...]
    a = p_ref[0] + p_ref[1] + h1s_ref[...]
    h = jnp.maximum(dis16 * a + b1_ref[...], 0.0)
    h2 = jnp.dot(h, w2_ref[...], preferred_element_type=jnp.float32)
    out_ref[...] = h2 * dis16[:, :FD]


def _tc3_body(p_ref, h2s_ref, dis_ref, b2_ref, out_ref):
    z = dis_ref[:, :FD] * (p_ref[0] + p_ref[1] + h2s_ref[...]) + b2_ref[...]
    mask = lax.broadcasted_iota(jnp.int32, (TC_BLK, FD), 1) < 7
    zm = jnp.where(mask, z, -jnp.inf)
    m = jnp.max(zm, axis=1, keepdims=True)
    e = jnp.where(mask, jnp.exp(zm - m), 0.0)
    lse = jnp.log(jnp.sum(e, axis=1, keepdims=True))
    out_ref[...] = ((z - m) - lse)[:, :7]


def kernel(x, edge_index, W1, b1, W2, b2):
    f32 = jnp.float32
    ei = edge_index.astype(jnp.int32)
    src = ei[0].reshape(NW, CH, C)
    dst = ei[1].reshape(NW, CH, C)
    zeros16 = jnp.zeros((N, F), dtype=f32)
    zeros8 = jnp.zeros((N, FD), dtype=f32)
    ones8 = jnp.ones((C, FD), dtype=f32)
    W2p = jnp.zeros((F, FD), dtype=f32).at[:, :7].set(W2)
    b1p = jnp.broadcast_to(b1[None, :], (1, F))
    b2p = jnp.zeros((1, FD), dtype=f32).at[0, :7].set(b2)

    degp = _deg_kernel(dst, zeros8, ones8)

    grid = N // TC_BLK
    blk = lambda i: (i, 0)
    h1s, dis16 = pl.pallas_call(
        _tc1_body,
        grid=(grid,),
        in_specs=[
            pl.BlockSpec((TC_BLK, 128), blk),
            pl.BlockSpec((128, F), lambda i: (0, 0)),
            pl.BlockSpec((NC, TC_BLK, FD), lambda i: (0, i, 0)),
        ],
        out_specs=[pl.BlockSpec((TC_BLK, F), blk)] * 2,
        out_shape=[jax.ShapeDtypeStruct((N, F), f32)] * 2,
    )(x, W1, degp)

    p1 = _edge_kernel(h1s, zeros16, src, dst)

    h2s = pl.pallas_call(
        _tc2_body,
        grid=(grid,),
        in_specs=[
            pl.BlockSpec((NC, TC_BLK, F), lambda i: (0, i, 0)),
            pl.BlockSpec((TC_BLK, F), blk),
            pl.BlockSpec((TC_BLK, F), blk),
            pl.BlockSpec((1, F), lambda i: (0, 0)),
            pl.BlockSpec((F, FD), lambda i: (0, 0)),
        ],
        out_specs=pl.BlockSpec((TC_BLK, FD), blk),
        out_shape=jax.ShapeDtypeStruct((N, FD), f32),
    )(p1, h1s, dis16, b1p, W2p)

    p2 = _edge_kernel8(h2s, zeros8, src, dst)

    out = pl.pallas_call(
        _tc3_body,
        grid=(grid,),
        in_specs=[
            pl.BlockSpec((NC, TC_BLK, FD), lambda i: (0, i, 0)),
            pl.BlockSpec((TC_BLK, FD), blk),
            pl.BlockSpec((TC_BLK, F), blk),
            pl.BlockSpec((1, FD), lambda i: (0, 0)),
        ],
        out_specs=pl.BlockSpec((TC_BLK, 7), blk),
        out_shape=jax.ShapeDtypeStruct((N, 7), f32),
    )(p2, h2s, dis16, b2p)

    return out

# --- scband reference (transcript-rebuilt; emitter-appended) ---
"""Pipeline reference for scband-gcn-64080912056900 (READ-ONLY COPY).

The authoritative reference and input builder live on the scoring server;
editing this copy changes nothing except your own understanding.
"""

import jax, jax.numpy as jnp
import numpy as np

N_NODES = 10000
N_EDGES = 320000
IN_CH = 128
HID = 16
N_CLASSES = 7


def setup_inputs(seed: int = 0) -> dict:
    key = jax.random.key(seed)
    k1, k2, k3, k4, k5, k6 = jax.random.split(key, 6)
    x = jax.random.normal(k1, (N_NODES, IN_CH), dtype=jnp.float32)
    edge_index = jax.random.randint(k2, (2, N_EDGES), 0, N_NODES, dtype=jnp.int64)
    # Glorot-style init for GCNConv weights, zeros for bias (PyG default)
    s1 = float(np.sqrt(6.0 / (IN_CH + HID)))
    W1 = jax.random.uniform(k3, (IN_CH, HID), dtype=jnp.float32, minval=-s1, maxval=s1)
    b1 = jnp.zeros((HID,), dtype=jnp.float32)
    s2 = float(np.sqrt(6.0 / (HID + N_CLASSES)))
    W2 = jax.random.uniform(k4, (HID, N_CLASSES), dtype=jnp.float32, minval=-s2, maxval=s2)
    b2 = jnp.zeros((N_CLASSES,), dtype=jnp.float32)
    return {"x": x, "edge_index": edge_index, "W1": W1, "b1": b1, "W2": W2, "b2": b2}


def _gcn_conv(h, src, dst, W, b, n_nodes):
    # h: [N, d_in] node features; src/dst already include self-loops
    # symmetric normalization: D^{-1/2} (A + I) D^{-1/2}
    deg = jnp.zeros((n_nodes,), dtype=h.dtype).at[dst].add(1.0)
    deg_inv_sqrt = jnp.where(deg > 0, jax.lax.rsqrt(deg), 0.0)
    norm = deg_inv_sqrt[src] * deg_inv_sqrt[dst]
    h = h @ W  # linear transform first (d_out small)
    msg = jnp.take(h, src, axis=0) * norm[:, None]  # gather + scale
    out = jax.ops.segment_sum(msg, dst, num_segments=n_nodes)  # scatter-add
    return out + b


def reference(x, edge_index, W1, b1, W2, b2):
    n_nodes = x.shape[0]
    loop = jnp.arange(n_nodes, dtype=edge_index.dtype)
    src = jnp.concatenate([edge_index[0], loop])
    dst = jnp.concatenate([edge_index[1], loop])
    h = _gcn_conv(x, src, dst, W1, b1, n_nodes)
    h = jax.nn.relu(h)
    # F.dropout(x, training=self.training): identity in eval mode
    h = _gcn_conv(h, src, dst, W2, b2, n_nodes)
    return jax.nn.log_softmax(h, axis=1)

if __name__ == "__main__":
    import jax
    _d = setup_inputs()
    print(jax.jit(kernel)(*tuple(_d.values())))

</pallas_src>

<mosaic_0001>
#map = affine_map<(d0, d1) -> (0, 0)>
#map1 = affine_map<(d0, d1) -> (0, 0, 0)>
module attributes {stable_mosaic.version = 14 : i64} {
  func.func @edge_kernel(%arg0: i32, %arg1: i32, %arg2: memref<10000x16xf32, #tpu.memory_space<hbm>>, %arg3: memref<10000x16xf32, #tpu.memory_space<hbm>>, %arg4: memref<32x80x125xi32, #tpu.memory_space<hbm>>, %arg5: memref<32x80x125xi32, #tpu.memory_space<hbm>>, %arg6: memref<2x10000x16xf32, #tpu.memory_space<hbm>>, %arg7: memref<10000x16xf32, #tpu.memory_space<vmem_shared>>, %arg8: memref<10000x16xf32, #tpu.memory_space<vmem_shared>>, %arg9: memref<125x16xf32, #tpu.memory_space<vmem>>, %arg10: memref<125x16xf32, #tpu.memory_space<vmem>>, %arg11: memref<125x16xf32, #tpu.memory_space<vmem>>, %arg12: memref<125x16xf32, #tpu.memory_space<vmem>>, %arg13: memref<80x125xi32, #tpu.memory_space<vmem>>, %arg14: memref<80x125xi32, #tpu.memory_space<vmem>>, %arg15: memref<!tpu.dma_semaphore, #tpu.memory_space<semaphore_mem>>, %arg16: memref<!tpu.dma_semaphore, #tpu.memory_space<semaphore_mem>>, %arg17: memref<!tpu.dma_semaphore, #tpu.memory_space<semaphore_mem>>, %arg18: memref<!tpu.dma_semaphore, #tpu.memory_space<semaphore_mem>>, %arg19: memref<!tpu.dma_semaphore, #tpu.memory_space<semaphore_mem>>, %arg20: memref<!tpu.dma_semaphore, #tpu.memory_space<semaphore_mem>>, %arg21: memref<!tpu.dma_semaphore, #tpu.memory_space<semaphore_mem>>, %arg22: memref<!tpu.dma_semaphore, #tpu.memory_space<semaphore_mem>>, %arg23: memref<!tpu.dma_semaphore, #tpu.memory_space<semaphore_mem>>, %arg24: memref<!tpu.dma_semaphore, #tpu.memory_space<semaphore_mem>>) attributes {dimension_semantics = [#tpu.dimension_semantics<core_parallel>, #tpu.dimension_semantics<subcore_parallel>], iteration_bounds = array<i64: 2, 16>, scalar_prefetch = 0 : i64, scratch_operands = 18 : i64, tpu.core_type = #tpu.core_type<sc_vector_subcore>, window_params = [{transform_indices = #map}, {transform_indices = #map}, {transform_indices = #map1}, {transform_indices = #map1}, {transform_indices = #map1}]} {
    %mul3A = arith.constant 2 : i32
    %mul3A_0 = arith.muli %arg1, %mul3A : i32
    %add3A = arith.addi %mul3A_0, %arg0 : i32
    %mul3A_1 = arith.constant 625 : i32
    %mul3A_2 = arith.muli %arg1, %mul3A_1 : i32
    %dma_start3A = arith.constant 0 : i32
    %dma_start3A_3 = arith.constant 0 : i32
    %dma_start3A_4 = tpu.memref_slice %arg4[%add3A, %dma_start3A, %dma_start3A_3] : memref<32x80x125xi32, #tpu.memory_space<hbm>> -> memref<1x80x125xi32, #tpu.memory_space<hbm>>
    %dma_start3A_5 = tpu.memref_squeeze %dma_start3A_4 : memref<1x80x125xi32, #tpu.memory_space<hbm>> -> memref<80x125xi32, #tpu.memory_space<hbm>>
    %dma_start3A_6 = arith.constant 0 : i32
    %dma_start3A_7 = arith.constant 0 : i32
    %dma_start3A_8 = tpu.memref_slice %arg4[%add3A, %dma_start3A_6, %dma_start3A_7] : memref<32x80x125xi32, #tpu.memory_space<hbm>> -> memref<1x80x125xi32, #tpu.memory_space<hbm>>
    %dma_start3A_9 = tpu.memref_squeeze %dma_start3A_8 : memref<1x80x125xi32, #tpu.memory_space<hbm>> -> memref<80x125xi32, #tpu.memory_space<hbm>>
    tpu.enqueue_dma source(%dma_start3A_9 : memref<80x125xi32, #tpu.memory_space<hbm>>) target(%arg13 : memref<80x125xi32, #tpu.memory_space<vmem>>) target_semaphore(%arg15 : memref<!tpu.dma_semaphore, #tpu.memory_space<semaphore_mem>>)
    %dma_start3A_10 = arith.constant 0 : i32
    %dma_start3A_11 = arith.constant 0 : i32
    %dma_start3A_12 = tpu.memref_slice %arg5[%add3A, %dma_start3A_10, %dma_start3A_11] : memref<32x80x125xi32, #tpu.memory_space<hbm>> -> memref<1x80x125xi32, #tpu.memory_space<hbm>>
    %dma_start3A_13 = tpu.memref_squeeze %dma_start3A_12 : memref<1x80x125xi32, #tpu.memory_space<hbm>> -> memref<80x125xi32, #tpu.memory_space<hbm>>
    %dma_start3A_14 = arith.constant 0 : i32
    %dma_start3A_15 = arith.constant 0 : i32
    %dma_start3A_16 = tpu.memref_slice %arg5[%add3A, %dma_start3A_14, %dma_start3A_15] : memref<32x80x125xi32, #tpu.memory_space<hbm>> -> memref<1x80x125xi32, #tpu.memory_space<hbm>>
    %dma_start3A_17 = tpu.memref_squeeze %dma_start3A_16 : memref<1x80x125xi32, #tpu.memory_space<hbm>> -> memref<80x125xi32, #tpu.memory_space<hbm>>
    tpu.enqueue_dma source(%dma_start3A_17 : memref<80x125xi32, #tpu.memory_space<hbm>>) target(%arg14 : memref<80x125xi32, #tpu.memory_space<vmem>>) target_semaphore(%arg16 : memref<!tpu.dma_semaphore, #tpu.memory_space<semaphore_mem>>)
    %mul3A_18 = arith.constant 625 : i32
    %mul3A_19 = arith.muli %arg1, %mul3A_18 : i32
    "tpu.region"() ({
      %run_scoped3A = tpu.sem_alloc : memref<!tpu.dma_semaphore, #tpu.memory_space<semaphore_mem>>
      %dma_start3A_70 = arith.constant 0 : i32
      %dma_start3A_71 = tpu.memref_slice %arg7[%mul3A_19, %dma_start3A_70] : memref<10000x16xf32, #tpu.memory_space<vmem_shared>> -> memref<625x16xf32, #tpu.memory_space<vmem_shared>>
      %dma_start3A_72 = arith.constant 0 : i32
      %dma_start3A_73 = tpu.memref_slice %arg3[%mul3A_19, %dma_start3A_72] : memref<10000x16xf32, #tpu.memory_space<hbm>> -> memref<625x16xf32, #tpu.memory_space<hbm>>
      tpu.enqueue_dma source(%dma_start3A_73 : memref<625x16xf32, #tpu.memory_space<hbm>>) target(%dma_start3A_71 : memref<625x16xf32, #tpu.memory_space<vmem_shared>>) target_semaphore(%run_scoped3A : memref<!tpu.dma_semaphore, #tpu.memory_space<semaphore_mem>>)
      %dma_wait3A_74 = arith.constant 0 : i32
      %dma_wait3A_75 = tpu.memref_slice %arg7[%mul3A_19, %dma_wait3A_74] : memref<10000x16xf32, #tpu.memory_space<vmem_shared>> -> memref<625x16xf32, #tpu.memory_space<vmem_shared>>
      %dma_wait3A_76 = arith.constant 0 : i32
      %dma_wait3A_77 = tpu.memref_slice %arg3[%mul3A_19, %dma_wait3A_76] : memref<10000x16xf32, #tpu.memory_space<hbm>> -> memref<625x16xf32, #tpu.memory_space<hbm>>
      tpu.wait_dma2 semaphore(%run_scoped3A : memref<!tpu.dma_semaphore, #tpu.memory_space<semaphore_mem>>) src(%dma_wait3A_77 : memref<625x16xf32, #tpu.memory_space<hbm>>) dst(%dma_wait3A_75 : memref<625x16xf32, #tpu.memory_space<vmem_shared>>)
      tpu.yield
    }) : () -> ()
    "tpu.region"() ({
      %run_scoped3A = tpu.sem_alloc : memref<!tpu.dma_semaphore, #tpu.memory_space<semaphore_mem>>
      %dma_start3A_70 = arith.constant 0 : i32
      %dma_start3A_71 = tpu.memref_slice %arg8[%mul3A_2, %dma_start3A_70] : memref<10000x16xf32, #tpu.memory_space<vmem_shared>> -> memref<625x16xf32, #tpu.memory_space<vmem_shared>>
      %dma_start3A_72 = arith.constant 0 : i32
      %dma_start3A_73 = tpu.memref_slice %arg2[%mul3A_2, %dma_start3A_72] : memref<10000x16xf32, #tpu.memory_space<hbm>> -> memref<625x16xf32, #tpu.memory_space<hbm>>
      tpu.enqueue_dma source(%dma_start3A_73 : memref<625x16xf32, #tpu.memory_space<hbm>>) target(%dma_start3A_71 : memref<625x16xf32, #tpu.memory_space<vmem_shared>>) target_semaphore(%run_scoped3A : memref<!tpu.dma_semaphore, #tpu.memory_space<semaphore_mem>>)
      %dma_wait3A_74 = arith.constant 0 : i32
      %dma_wait3A_75 = tpu.memref_slice %arg8[%mul3A_2, %dma_wait3A_74] : memref<10000x16xf32, #tpu.memory_space<vmem_shared>> -> memref<625x16xf32, #tpu.memory_space<vmem_shared>>
      %dma_wait3A_76 = arith.constant 0 : i32
      %dma_wait3A_77 = tpu.memref_slice %arg2[%mul3A_2, %dma_wait3A_76] : memref<10000x16xf32, #tpu.memory_space<hbm>> -> memref<625x16xf32, #tpu.memory_space<hbm>>
      tpu.wait_dma2 semaphore(%run_scoped3A : memref<!tpu.dma_semaphore, #tpu.memory_space<semaphore_mem>>) src(%dma_wait3A_77 : memref<625x16xf32, #tpu.memory_space<hbm>>) dst(%dma_wait3A_75 : memref<625x16xf32, #tpu.memory_space<vmem_shared>>)
      tpu.yield
    }) : () -> ()
    %barrier3A = arith.constant 0 : index
    tpu.barrier barrier_id(%barrier3A)
    %dma_wait3A = arith.constant 0 : i32
    %dma_wait3A_20 = arith.constant 0 : i32
    %dma_wait3A_21 = tpu.memref_slice %arg4[%add3A, %dma_wait3A, %dma_wait3A_20] : memref<32x80x125xi32, #tpu.memory_space<hbm>> -> memref<1x80x125xi32, #tpu.memory_space<hbm>>
    %dma_wait3A_22 = tpu.memref_squeeze %dma_wait3A_21 : memref<1x80x125xi32, #tpu.memory_space<hbm>> -> memref<80x125xi32, #tpu.memory_space<hbm>>
    %dma_wait3A_23 = arith.constant 0 : i32
    %dma_wait3A_24 = arith.constant 0 : i32
    %dma_wait3A_25 = tpu.memref_slice %arg4[%add3A, %dma_wait3A_23, %dma_wait3A_24] : memref<32x80x125xi32, #tpu.memory_space<hbm>> -> memref<1x80x125xi32, #tpu.memory_space<hbm>>
    %dma_wait3A_26 = tpu.memref_squeeze %dma_wait3A_25 : memref<1x80x125xi32, #tpu.memory_space<hbm>> -> memref<80x125xi32, #tpu.memory_space<hbm>>
    tpu.wait_dma2 semaphore(%arg15 : memref<!tpu.dma_semaphore, #tpu.memory_space<semaphore_mem>>) src(%dma_wait3A_26 : memref<80x125xi32, #tpu.memory_space<hbm>>) dst(%arg13 : memref<80x125xi32, #tpu.memory_space<vmem>>)
    %dma_wait3A_27 = arith.constant 0 : i32
    %dma_wait3A_28 = arith.constant 0 : i32
    %dma_wait3A_29 = tpu.memref_slice %arg5[%add3A, %dma_wait3A_27, %dma_wait3A_28] : memref<32x80x125xi32, #tpu.memory_space<hbm>> -> memref<1x80x125xi32, #tpu.memory_space<hbm>>
    %dma_wait3A_30 = tpu.memref_squeeze %dma_wait3A_29 : memref<1x80x125xi32, #tpu.memory_space<hbm>> -> memref<80x125xi32, #tpu.memory_space<hbm>>
    %dma_wait3A_31 = arith.constant 0 : i32
    %dma_wait3A_32 = arith.constant 0 : i32
    %dma_wait3A_33 = tpu.memref_slice %arg5[%add3A, %dma_wait3A_31, %dma_wait3A_32] : memref<32x80x125xi32, #tpu.memory_space<hbm>> -> memref<1x80x125xi32, #tpu.memory_space<hbm>>
    %dma_wait3A_34 = tpu.memref_squeeze %dma_wait3A_33 : memref<1x80x125xi32, #tpu.memory_space<hbm>> -> memref<80x125xi32, #tpu.memory_space<hbm>>
    tpu.wait_dma2 semaphore(%arg16 : memref<!tpu.dma_semaphore, #tpu.memory_space<semaphore_mem>>) src(%dma_wait3A_34 : memref<80x125xi32, #tpu.memory_space<hbm>>) dst(%arg14 : memref<80x125xi32, #tpu.memory_space<vmem>>)
    %scan3A = arith.constant 0 : i32
    %scan3A_35 = arith.constant 20 : i32
    %scan3A_36 = arith.addi %scan3A, %scan3A_35 : i32
    %scan3A_37 = arith.constant 1 : i32
    scf.for %scan3A_70 = %scan3A to %scan3A_36 step %scan3A_37  : i32 {
      %mul3A_71 = arith.constant 4 : i32
      %mul3A_72 = arith.muli %mul3A_71, %scan3A_70 : i32
      %add3A_73 = arith.constant 0 : i32
      %add3A_74 = arith.addi %mul3A_72, %add3A_73 : i32
      %gt3A = arith.constant 0 : i32
      %gt3A_75 = arith.cmpi sgt, %scan3A_70, %gt3A : i32
      %convert_element_type3A = arith.extui %gt3A_75 : i1 to i32
      %cond3A = arith.constant 0 : i32
      %cond3A_76 = arith.cmpi ne, %convert_element_type3A, %cond3A : i32
      scf.if %cond3A_76 {
        %sub3A = arith.constant 4 : i32
        %sub3A_192 = arith.subi %add3A_74, %sub3A : i32
        %dma_wait3A_193 = arith.constant 0 : i32
        %dma_wait3A_194 = tpu.memref_slice %arg14[%sub3A_192, %dma_wait3A_193] : memref<80x125xi32, #tpu.memory_space<vmem>> -> memref<1x125xi32, #tpu.memory_space<vmem>>
        %dma_wait3A_195 = tpu.memref_squeeze %dma_wait3A_194 : memref<1x125xi32, #tpu.memory_space<vmem>> -> memref<125xi32, #tpu.memory_space<vmem>>
        %dma_wait3A_196 = arith.constant 0 : i32
        %dma_wait3A_197 = arith.constant 0 : i32
        %dma_wait3A_198 = tpu.memref_slice %arg7[%dma_wait3A_196, %dma_wait3A_197] : memref<10000x16xf32, #tpu.memory_space<vmem_shared>> -> memref<10000x16xf32, #tpu.memory_space<vmem_shared>>
        tpu.wait_indirect_dma semaphore(%arg21 : memref<!tpu.dma_semaphore, #tpu.memory_space<semaphore_mem>>) src(%arg9 : memref<125x16xf32, #tpu.memory_space<vmem>>) dst(%dma_wait3A_198 : memref<10000x16xf32, #tpu.memory_space<vmem_shared>>)
      } else {
      }
      %dma_start3A_77 = arith.constant 0 : i32
      %dma_start3A_78 = tpu.memref_slice %arg13[%add3A_74, %dma_start3A_77] : memref<80x125xi32, #tpu.memory_space<vmem>> -> memref<1x125xi32, #tpu.memory_space<vmem>>
      %dma_start3A_79 = tpu.memref_squeeze %dma_start3A_78 : memref<1x125xi32, #tpu.memory_space<vmem>> -> memref<125xi32, #tpu.memory_space<vmem>>
      %dma_start3A_80 = arith.constant 0 : i32
      %dma_start3A_81 = arith.constant 0 : i32
      %dma_start3A_82 = tpu.memref_slice %arg8[%dma_start3A_80, %dma_start3A_81] : memref<10000x16xf32, #tpu.memory_space<vmem_shared>> -> memref<10000x16xf32, #tpu.memory_space<vmem_shared>>
      tpu.enqueue_indirect_dma source(%dma_start3A_82 : memref<10000x16xf32, #tpu.memory_space<vmem_shared>>) target(%arg9 : memref<125x16xf32, #tpu.memory_space<vmem>>) offsets(%dma_start3A_79 : memref<125xi32, #tpu.memory_space<vmem>>) semaphore(%arg17 : memref<!tpu.dma_semaphore, #tpu.memory_space<semaphore_mem>>)
      %mul3A_83 = arith.constant 4 : i32
      %mul3A_84 = arith.muli %mul3A_83, %scan3A_70 : i32
      %add3A_85 = arith.constant 1 : i32
      %add3A_86 = arith.addi %mul3A_84, %add3A_85 : i32
      %gt3A_87 = arith.constant 0 : i32
      %gt3A_88 = arith.cmpi sgt, %scan3A_70, %gt3A_87 : i32
      %convert_element_type3A_89 = arith.extui %gt3A_88 : i1 to i32
      %cond3A_90 = arith.constant 0 : i32
      %cond3A_91 = arith.cmpi ne, %convert_element_type3A_89, %cond3A_90 : i32
      scf.if %cond3A_91 {
        %sub3A = arith.constant 4 : i32
        %sub3A_192 = arith.subi %add3A_86, %sub3A : i32
        %dma_wait3A_193 = arith.constant 0 : i32
        %dma_wait3A_194 = tpu.memref_slice %arg14[%sub3A_192, %dma_wait3A_193] : memref<80x125xi32, #tpu.memory_space<vmem>> -> memref<1x125xi32, #tpu.memory_space<vmem>>
        %dma_wait3A_195 = tpu.memref_squeeze %dma_wait3A_194 : memref<1x125xi32, #tpu.memory_space<vmem>> -> memref<125xi32, #tpu.memory_space<vmem>>
        %dma_wait3A_196 = arith.constant 0 : i32
        %dma_wait3A_197 = arith.constant 0 : i32
        %dma_wait3A_198 = tpu.memref_slice %arg7[%dma_wait3A_196, %dma_wait3A_197] : memref<10000x16xf32, #tpu.memory_space<vmem_shared>> -> memref<10000x16xf32, #tpu.memory_space<vmem_shared>>
        tpu.wait_indirect_dma semaphore(%arg22 : memref<!tpu.dma_semaphore, #tpu.memory_space<semaphore_mem>>) src(%arg10 : memref<125x16xf32, #tpu.memory_space<vmem>>) dst(%dma_wait3A_198 : memref<10000x16xf32, #tpu.memory_space<vmem_shared>>)
      } else {
      }
      %dma_start3A_92 = arith.constant 0 : i32
      %dma_start3A_93 = tpu.memref_slice %arg13[%add3A_86, %dma_start3A_92] : memref<80x125xi32, #tpu.memory_space<vmem>> -> memref<1x125xi32, #tpu.memory_space<vmem>>
      %dma_start3A_94 = tpu.memref_squeeze %dma_start3A_93 : memref<1x125xi32, #tpu.memory_space<vmem>> -> memref<125xi32, #tpu.memory_space<vmem>>
      %dma_start3A_95 = arith.constant 0 : i32
      %dma_start3A_96 = arith.constant 0 : i32
      %dma_start3A_97 = tpu.memref_slice %arg8[%dma_start3A_95, %dma_start3A_96] : memref<10000x16xf32, #tpu.memory_space<vmem_shared>> -> memref<10000x16xf32, #tpu.memory_space<vmem_shared>>
      tpu.enqueue_indirect_dma source(%dma_start3A_97 : memref<10000x16xf32, #tpu.memory_space<vmem_shared>>) target(%arg10 : memref<125x16xf32, #tpu.memory_space<vmem>>) offsets(%dma_start3A_94 : memref<125xi32, #tpu.memory_space<vmem>>) semaphore(%arg18 : memref<!tpu.dma_semaphore, #tpu.memory_space<semaphore_mem>>)
      %mul3A_98 = arith.constant 4 : i32
      %mul3A_99 = arith.muli %mul3A_98, %scan3A_70 : i32
      %add3A_100 = arith.constant 2 : i32
      %add3A_101 = arith.addi %mul3A_99, %add3A_100 : i32
      %gt3A_102 = arith.constant 0 : i32
      %gt3A_103 = arith.cmpi sgt, %scan3A_70, %gt3A_102 : i32
      %convert_element_type3A_104 = arith.extui %gt3A_103 : i1 to i32
      %cond3A_105 = arith.constant 0 : i32
      %cond3A_106 = arith.cmpi ne, %convert_element_type3A_104, %cond3A_105 : i32
      scf.if %cond3A_106 {
        %sub3A = arith.constant 4 : i32
        %sub3A_192 = arith.subi %add3A_101, %sub3A : i32
        %dma_wait3A_193 = arith.constant 0 : i32
        %dma_wait3A_194 = tpu.memref_slice %arg14[%sub3A_192, %dma_wait3A_193] : memref<80x125xi32, #tpu.memory_space<vmem>> -> memref<1x125xi32, #tpu.memory_space<vmem>>
        %dma_wait3A_195 = tpu.memref_squeeze %dma_wait3A_194 : memref<1x125xi32, #tpu.memory_space<vmem>> -> memref<125xi32, #tpu.memory_space<vmem>>
        %dma_wait3A_196 = arith.constant 0 : i32
        %dma_wait3A_197 = arith.constant 0 : i32
        %dma_wait3A_198 = tpu.memref_slice %arg7[%dma_wait3A_196, %dma_wait3A_197] : memref<10000x16xf32, #tpu.memory_space<vmem_shared>> -> memref<10000x16xf32, #tpu.memory_space<vmem_shared>>
        tpu.wait_indirect_dma semaphore(%arg23 : memref<!tpu.dma_semaphore, #tpu.memory_space<semaphore_mem>>) src(%arg11 : memref<125x16xf32, #tpu.memory_space<vmem>>) dst(%dma_wait3A_198 : memref<10000x16xf32, #tpu.memory_space<vmem_shared>>)
      } else {
      }
      %dma_start3A_107 = arith.constant 0 : i32
      %dma_start3A_108 = tpu.memref_slice %arg13[%add3A_101, %dma_start3A_107] : memref<80x125xi32, #tpu.memory_space<vmem>> -> memref<1x125xi32, #tpu.memory_space<vmem>>
      %dma_start3A_109 = tpu.memref_squeeze %dma_start3A_108 : memref<1x125xi32, #tpu.memory_space<vmem>> -> memref<125xi32, #tpu.memory_space<vmem>>
      %dma_start3A_110 = arith.constant 0 : i32
      %dma_start3A_111 = arith.constant 0 : i32
      %dma_start3A_112 = tpu.memref_slice %arg8[%dma_start3A_110, %dma_start3A_111] : memref<10000x16xf32, #tpu.memory_space<vmem_shared>> -> memref<10000x16xf32, #tpu.memory_space<vmem_shared>>
      tpu.enqueue_indirect_dma source(%dma_start3A_112 : memref<10000x16xf32, #tpu.memory_space<vmem_shared>>) target(%arg11 : memref<125x16xf32, #tpu.memory_space<vmem>>) offsets(%dma_start3A_109 : memref<125xi32, #tpu.memory_space<vmem>>) semaphore(%arg19 : memref<!tpu.dma_semaphore, #tpu.memory_space<semaphore_mem>>)
      %mul3A_113 = arith.constant 4 : i32
      %mul3A_114 = arith.muli %mul3A_113, %scan3A_70 : i32
      %add3A_115 = arith.constant 3 : i32
      %add3A_116 = arith.addi %mul3A_114, %add3A_115 : i32
      %gt3A_117 = arith.constant 0 : i32
      %gt3A_118 = arith.cmpi sgt, %scan3A_70, %gt3A_117 : i32
      %convert_element_type3A_119 = arith.extui %gt3A_118 : i1 to i32
      %cond3A_120 = arith.constant 0 : i32
      %cond3A_121 = arith.cmpi ne, %convert_element_type3A_119, %cond3A_120 : i32
      scf.if %cond3A_121 {
        %sub3A = arith.constant 4 : i32
        %sub3A_192 = arith.subi %add3A_116, %sub3A : i32
        %dma_wait3A_193 = arith.constant 0 : i32
        %dma_wait3A_194 = tpu.memref_slice %arg14[%sub3A_192, %dma_wait3A_193] : memref<80x125xi32, #tpu.memory_space<vmem>> -> memref<1x125xi32, #tpu.memory_space<vmem>>
        %dma_wait3A_195 = tpu.memref_squeeze %dma_wait3A_194 : memref<1x125xi32, #tpu.memory_space<vmem>> -> memref<125xi32, #tpu.memory_space<vmem>>
        %dma_wait3A_196 = arith.constant 0 : i32
        %dma_wait3A_197 = arith.constant 0 : i32
        %dma_wait3A_198 = tpu.memref_slice %arg7[%dma_wait3A_196, %dma_wait3A_197] : memref<10000x16xf32, #tpu.memory_space<vmem_shared>> -> memref<10000x16xf32, #tpu.memory_space<vmem_shared>>
        tpu.wait_indirect_dma semaphore(%arg24 : memref<!tpu.dma_semaphore, #tpu.memory_space<semaphore_mem>>) src(%arg12 : memref<125x16xf32, #tpu.memory_space<vmem>>) dst(%dma_wait3A_198 : memref<10000x16xf32, #tpu.memory_space<vmem_shared>>)
      } else {
      }
      %dma_start3A_122 = arith.constant 0 : i32
      %dma_start3A_123 = tpu.memref_slice %arg13[%add3A_116, %dma_start3A_122] : memref<80x125xi32, #tpu.memory_space<vmem>> -> memref<1x125xi32, #tpu.memory_space<vmem>>
      %dma_start3A_124 = tpu.memref_squeeze %dma_start3A_123 : memref<1x125xi32, #tpu.memory_space<vmem>> -> memref<125xi32, #tpu.memory_space<vmem>>
      %dma_start3A_125 = arith.constant 0 : i32
      %dma_start3A_126 = arith.constant 0 : i32
      %dma_start3A_127 = tpu.memref_slice %arg8[%dma_start3A_125, %dma_start3A_126] : memref<10000x16xf32, #tpu.memory_space<vmem_shared>> -> memref<10000x16xf32, #tpu.memory_space<vmem_shared>>
      tpu.enqueue_indirect_dma source(%dma_start3A_127 : memref<10000x16xf32, #tpu.memory_space<vmem_shared>>) target(%arg12 : memref<125x16xf32, #tpu.memory_space<vmem>>) offsets(%dma_start3A_124 : memref<125xi32, #tpu.memory_space<vmem>>) semaphore(%arg20 : memref<!tpu.dma_semaphore, #tpu.memory_space<semaphore_mem>>)
      %mul3A_128 = arith.constant 4 : i32
      %mul3A_129 = arith.muli %mul3A_128, %scan3A_70 : i32
      %add3A_130 = arith.constant 0 : i32
      %add3A_131 = arith.addi %mul3A_129, %add3A_130 : i32
      %dma_wait3A_132 = arith.constant 0 : i32
      %dma_wait3A_133 = tpu.memref_slice %arg13[%add3A_131, %dma_wait3A_132] : memref<80x125xi32, #tpu.memory_space<vmem>> -> memref<1x125xi32, #tpu.memory_space<vmem>>
      %dma_wait3A_134 = tpu.memref_squeeze %dma_wait3A_133 : memref<1x125xi32, #tpu.memory_space<vmem>> -> memref<125xi32, #tpu.memory_space<vmem>>
      %dma_wait3A_135 = arith.constant 0 : i32
      %dma_wait3A_136 = arith.constant 0 : i32
      %dma_wait3A_137 = tpu.memref_slice %arg8[%dma_wait3A_135, %dma_wait3A_136] : memref<10000x16xf32, #tpu.memory_space<vmem_shared>> -> memref<10000x16xf32, #tpu.memory_space<vmem_shared>>
      tpu.wait_indirect_dma semaphore(%arg17 : memref<!tpu.dma_semaphore, #tpu.memory_space<semaphore_mem>>) src(%dma_wait3A_137 : memref<10000x16xf32, #tpu.memory_space<vmem_shared>>) dst(%arg9 : memref<125x16xf32, #tpu.memory_space<vmem>>)
      %dma_start3A_138 = arith.constant 0 : i32
      %dma_start3A_139 = tpu.memref_slice %arg14[%add3A_131, %dma_start3A_138] : memref<80x125xi32, #tpu.memory_space<vmem>> -> memref<1x125xi32, #tpu.memory_space<vmem>>
      %dma_start3A_140 = tpu.memref_squeeze %dma_start3A_139 : memref<1x125xi32, #tpu.memory_space<vmem>> -> memref<125xi32, #tpu.memory_space<vmem>>
      %dma_start3A_141 = arith.constant 0 : i32
      %dma_start3A_142 = arith.constant 0 : i32
      %dma_start3A_143 = tpu.memref_slice %arg7[%dma_start3A_141, %dma_start3A_142] : memref<10000x16xf32, #tpu.memory_space<vmem_shared>> -> memref<10000x16xf32, #tpu.memory_space<vmem_shared>>
      tpu.enqueue_indirect_dma source(%arg9 : memref<125x16xf32, #tpu.memory_space<vmem>>) target(%dma_start3A_143 : memref<10000x16xf32, #tpu.memory_space<vmem_shared>>) offsets(%dma_start3A_140 : memref<125xi32, #tpu.memory_space<vmem>>) semaphore(%arg21 : memref<!tpu.dma_semaphore, #tpu.memory_space<semaphore_mem>>) {add = true}
      %mul3A_144 = arith.constant 4 : i32
      %mul3A_145 = arith.muli %mul3A_144, %scan3A_70 : i32
      %add3A_146 = arith.constant 1 : i32
      %add3A_147 = arith.addi %mul3A_145, %add3A_146 : i32
      %dma_wait3A_148 = arith.constant 0 : i32
      %dma_wait3A_149 = tpu.memref_slice %arg13[%add3A_147, %dma_wait3A_148] : memref<80x125xi32, #tpu.memory_space<vmem>> -> memref<1x125xi32, #tpu.memory_space<vmem>>
      %dma_wait3A_150 = tpu.memref_squeeze %dma_wait3A_149 : memref<1x125xi32, #tpu.memory_space<vmem>> -> memref<125xi32, #tpu.memory_space<vmem>>
      %dma_wait3A_151 = arith.constant 0 : i32
      %dma_wait3A_152 = arith.constant 0 : i32
      %dma_wait3A_153 = tpu.memref_slice %arg8[%dma_wait3A_151, %dma_wait3A_152] : memref<10000x16xf32, #tpu.memory_space<vmem_shared>> -> memref<10000x16xf32, #tpu.memory_space<vmem_shared>>
      tpu.wait_indirect_dma semaphore(%arg18 : memref<!tpu.dma_semaphore, #tpu.memory_space<semaphore_mem>>) src(%dma_wait3A_153 : memref<10000x16xf32, #tpu.memory_space<vmem_shared>>) dst(%arg10 : memref<125x16xf32, #tpu.memory_space<vmem>>)
      %dma_start3A_154 = arith.constant 0 : i32
      %dma_start3A_155 = tpu.memref_slice %arg14[%add3A_147, %dma_start3A_154] : memref<80x125xi32, #tpu.memory_space<vmem>> -> memref<1x125xi32, #tpu.memory_space<vmem>>
      %dma_start3A_156 = tpu.memref_squeeze %dma_start3A_155 : memref<1x125xi32, #tpu.memory_space<vmem>> -> memref<125xi32, #tpu.memory_space<vmem>>
      %dma_start3A_157 = arith.constant 0 : i32
      %dma_start3A_158 = arith.constant 0 : i32
      %dma_start3A_159 = tpu.memref_slice %arg7[%dma_start3A_157, %dma_start3A_158] : memref<10000x16xf32, #tpu.memory_space<vmem_shared>> -> memref<10000x16xf32, #tpu.memory_space<vmem_shared>>
      tpu.enqueue_indirect_dma source(%arg10 : memref<125x16xf32, #tpu.memory_space<vmem>>) target(%dma_start3A_159 : memref<10000x16xf32, #tpu.memory_space<vmem_shared>>) offsets(%dma_start3A_156 : memref<125xi32, #tpu.memory_space<vmem>>) semaphore(%arg22 : memref<!tpu.dma_semaphore, #tpu.memory_space<semaphore_mem>>) {add = true}
      %mul3A_160 = arith.constant 4 : i32
      %mul3A_161 = arith.muli %mul3A_160, %scan3A_70 : i32
      %add3A_162 = arith.constant 2 : i32
      %add3A_163 = arith.addi %mul3A_161, %add3A_162 : i32
      %dma_wait3A_164 = arith.constant 0 : i32
      %dma_wait3A_165 = tpu.memref_slice %arg13[%add3A_163, %dma_wait3A_164] : memref<80x125xi32, #tpu.memory_space<vmem>> -> memref<1x125xi32, #tpu.memory_space<vmem>>
      %dma_wait3A_166 = tpu.memref_squeeze %dma_wait3A_165 : memref<1x125xi32, #tpu.memory_space<vmem>> -> memref<125xi32, #tpu.memory_space<vmem>>
      %dma_wait3A_167 = arith.constant 0 : i32
      %dma_wait3A_168 = arith.constant 0 : i32
      %dma_wait3A_169 = tpu.memref_slice %arg8[%dma_wait3A_167, %dma_wait3A_168] : memref<10000x16xf32, #tpu.memory_space<vmem_shared>> -> memref<10000x16xf32, #tpu.memory_space<vmem_shared>>
      tpu.wait_indirect_dma semaphore(%arg19 : memref<!tpu.dma_semaphore, #tpu.memory_space<semaphore_mem>>) src(%dma_wait3A_169 : memref<10000x16xf32, #tpu.memory_space<vmem_shared>>) dst(%arg11 : memref<125x16xf32, #tpu.memory_space<vmem>>)
      %dma_start3A_170 = arith.constant 0 : i32
      %dma_start3A_171 = tpu.memref_slice %arg14[%add3A_163, %dma_start3A_170] : memref<80x125xi32, #tpu.memory_space<vmem>> -> memref<1x125xi32, #tpu.memory_space<vmem>>
      %dma_start3A_172 = tpu.memref_squeeze %dma_start3A_171 : memref<1x125xi32, #tpu.memory_space<vmem>> -> memref<125xi32, #tpu.memory_space<vmem>>
      %dma_start3A_173 = arith.constant 0 : i32
      %dma_start3A_174 = arith.constant 0 : i32
      %dma_start3A_175 = tpu.memref_slice %arg7[%dma_start3A_173, %dma_start3A_174] : memref<10000x16xf32, #tpu.memory_space<vmem_shared>> -> memref<10000x16xf32, #tpu.memory_space<vmem_shared>>
      tpu.enqueue_indirect_dma source(%arg11 : memref<125x16xf32, #tpu.memory_space<vmem>>) target(%dma_start3A_175 : memref<10000x16xf32, #tpu.memory_space<vmem_shared>>) offsets(%dma_start3A_172 : memref<125xi32, #tpu.memory_space<vmem>>) semaphore(%arg23 : memref<!tpu.dma_semaphore, #tpu.memory_space<semaphore_mem>>) {add = true}
      %mul3A_176 = arith.constant 4 : i32
      %mul3A_177 = arith.muli %mul3A_176, %scan3A_70 : i32
      %add3A_178 = arith.constant 3 : i32
      %add3A_179 = arith.addi %mul3A_177, %add3A_178 : i32
      %dma_wait3A_180 = arith.constant 0 : i32
      %dma_wait3A_181 = tpu.memref_slice %arg13[%add3A_179, %dma_wait3A_180] : memref<80x125xi32, #tpu.memory_space<vmem>> -> memref<1x125xi32, #tpu.memory_space<vmem>>
      %dma_wait3A_182 = tpu.memref_squeeze %dma_wait3A_181 : memref<1x125xi32, #tpu.memory_space<vmem>> -> memref<125xi32, #tpu.memory_space<vmem>>
      %dma_wait3A_183 = arith.constant 0 : i32
      %dma_wait3A_184 = arith.constant 0 : i32
      %dma_wait3A_185 = tpu.memref_slice %arg8[%dma_wait3A_183, %dma_wait3A_184] : memref<10000x16xf32, #tpu.memory_space<vmem_shared>> -> memref<10000x16xf32, #tpu.memory_space<vmem_shared>>
      tpu.wait_indirect_dma semaphore(%arg20 : memref<!tpu.dma_semaphore, #tpu.memory_space<semaphore_mem>>) src(%dma_wait3A_185 : memref<10000x16xf32, #tpu.memory_space<vmem_shared>>) dst(%arg12 : memref<125x16xf32, #tpu.memory_space<vmem>>)
      %dma_start3A_186 = arith.constant 0 : i32
      %dma_start3A_187 = tpu.memref_slice %arg14[%add3A_179, %dma_start3A_186] : memref<80x125xi32, #tpu.memory_space<vmem>> -> memref<1x125xi32, #tpu.memory_space<vmem>>
      %dma_start3A_188 = tpu.memref_squeeze %dma_start3A_187 : memref<1x125xi32, #tpu.memory_space<vmem>> -> memref<125xi32, #tpu.memory_space<vmem>>
      %dma_start3A_189 = arith.constant 0 : i32
      %dma_start3A_190 = arith.constant 0 : i32
      %dma_start3A_191 = tpu.memref_slice %arg7[%dma_start3A_189, %dma_start3A_190] : memref<10000x16xf32, #tpu.memory_space<vmem_shared>> -> memref<10000x16xf32, #tpu.memory_space<vmem_shared>>
      tpu.enqueue_indirect_dma source(%arg12 : memref<125x16xf32, #tpu.memory_space<vmem>>) target(%dma_start3A_191 : memref<10000x16xf32, #tpu.memory_space<vmem_shared>>) offsets(%dma_start3A_188 : memref<125xi32, #tpu.memory_space<vmem>>) semaphore(%arg24 : memref<!tpu.dma_semaphore, #tpu.memory_space<semaphore_mem>>) {add = true}
    }
    %scan3A_38 = arith.constant 20 : i32
    %dma_wait3A_39 = arith.constant 76 : i32
    %dma_wait3A_40 = arith.constant 0 : i32
    %dma_wait3A_41 = tpu.memref_slice %arg14[%dma_wait3A_39, %dma_wait3A_40] : memref<80x125xi32, #tpu.memory_space<vmem>> -> memref<1x125xi32, #tpu.memory_space<vmem>>
    %dma_wait3A_42 = tpu.memref_squeeze %dma_wait3A_41 : memref<1x125xi32, #tpu.memory_space<vmem>> -> memref<125xi32, #tpu.memory_space<vmem>>
    %dma_wait3A_43 = arith.constant 0 : i32
    %dma_wait3A_44 = arith.constant 0 : i32
    %dma_wait3A_45 = tpu.memref_slice %arg7[%dma_wait3A_43, %dma_wait3A_44] : memref<10000x16xf32, #tpu.memory_space<vmem_shared>> -> memref<10000x16xf32, #tpu.memory_space<vmem_shared>>
    tpu.wait_indirect_dma semaphore(%arg21 : memref<!tpu.dma_semaphore, #tpu.memory_space<semaphore_mem>>) src(%arg9 : memref<125x16xf32, #tpu.memory_space<vmem>>) dst(%dma_wait3A_45 : memref<10000x16xf32, #tpu.memory_space<vmem_shared>>)
    %dma_wait3A_46 = arith.constant 77 : i32
    %dma_wait3A_47 = arith.constant 0 : i32
    %dma_wait3A_48 = tpu.memref_slice %arg14[%dma_wait3A_46, %dma_wait3A_47] : memref<80x125xi32, #tpu.memory_space<vmem>> -> memref<1x125xi32, #tpu.memory_space<vmem>>
    %dma_wait3A_49 = tpu.memref_squeeze %dma_wait3A_48 : memref<1x125xi32, #tpu.memory_space<vmem>> -> memref<125xi32, #tpu.memory_space<vmem>>
    %dma_wait3A_50 = arith.constant 0 : i32
    %dma_wait3A_51 = arith.constant 0 : i32
    %dma_wait3A_52 = tpu.memref_slice %arg7[%dma_wait3A_50, %dma_wait3A_51] : memref<10000x16xf32, #tpu.memory_space<vmem_shared>> -> memref<10000x16xf32, #tpu.memory_space<vmem_shared>>
    tpu.wait_indirect_dma semaphore(%arg22 : memref<!tpu.dma_semaphore, #tpu.memory_space<semaphore_mem>>) src(%arg10 : memref<125x16xf32, #tpu.memory_space<vmem>>) dst(%dma_wait3A_52 : memref<10000x16xf32, #tpu.memory_space<vmem_shared>>)
    %dma_wait3A_53 = arith.constant 78 : i32
    %dma_wait3A_54 = arith.constant 0 : i32
    %dma_wait3A_55 = tpu.memref_slice %arg14[%dma_wait3A_53, %dma_wait3A_54] : memref<80x125xi32, #tpu.memory_space<vmem>> -> memref<1x125xi32, #tpu.memory_space<vmem>>
    %dma_wait3A_56 = tpu.memref_squeeze %dma_wait3A_55 : memref<1x125xi32, #tpu.memory_space<vmem>> -> memref<125xi32, #tpu.memory_space<vmem>>
    %dma_wait3A_57 = arith.constant 0 : i32
    %dma_wait3A_58 = arith.constant 0 : i32
    %dma_wait3A_59 = tpu.memref_slice %arg7[%dma_wait3A_57, %dma_wait3A_58] : memref<10000x16xf32, #tpu.memory_space<vmem_shared>> -> memref<10000x16xf32, #tpu.memory_space<vmem_shared>>
    tpu.wait_indirect_dma semaphore(%arg23 : memref<!tpu.dma_semaphore, #tpu.memory_space<semaphore_mem>>) src(%arg11 : memref<125x16xf32, #tpu.memory_space<vmem>>) dst(%dma_wait3A_59 : memref<10000x16xf32, #tpu.memory_space<vmem_shared>>)
    %dma_wait3A_60 = arith.constant 79 : i32
    %dma_wait3A_61 = arith.constant 0 : i32
    %dma_wait3A_62 = tpu.memref_slice %arg14[%dma_wait3A_60, %dma_wait3A_61] : memref<80x125xi32, #tpu.memory_space<vmem>> -> memref<1x125xi32, #tpu.memory_space<vmem>>
    %dma_wait3A_63 = tpu.memref_squeeze %dma_wait3A_62 : memref<1x125xi32, #tpu.memory_space<vmem>> -> memref<125xi32, #tpu.memory_space<vmem>>
    %dma_wait3A_64 = arith.constant 0 : i32
    %dma_wait3A_65 = arith.constant 0 : i32
    %dma_wait3A_66 = tpu.memref_slice %arg7[%dma_wait3A_64, %dma_wait3A_65] : memref<10000x16xf32, #tpu.memory_space<vmem_shared>> -> memref<10000x16xf32, #tpu.memory_space<vmem_shared>>
    tpu.wait_indirect_dma semaphore(%arg24 : memref<!tpu.dma_semaphore, #tpu.memory_space<semaphore_mem>>) src(%arg12 : memref<125x16xf32, #tpu.memory_space<vmem>>) dst(%dma_wait3A_66 : memref<10000x16xf32, #tpu.memory_space<vmem_shared>>)
    %barrier3A_67 = arith.constant 0 : index
    tpu.barrier barrier_id(%barrier3A_67)
    %mul3A_68 = arith.constant 625 : i32
    %mul3A_69 = arith.muli %arg1, %mul3A_68 : i32
    "tpu.region"() ({
      %run_scoped3A = tpu.sem_alloc : memref<!tpu.dma_semaphore, #tpu.memory_space<semaphore_mem>>
      %dma_start3A_70 = arith.constant 0 : i32
      %dma_start3A_71 = tpu.memref_slice %arg6[%arg0, %mul3A_69, %dma_start3A_70] : memref<2x10000x16xf32, #tpu.memory_space<hbm>> -> memref<1x625x16xf32, #tpu.memory_space<hbm>>
      %dma_start3A_72 = tpu.memref_squeeze %dma_start3A_71 : memref<1x625x16xf32, #tpu.memory_space<hbm>> -> memref<625x16xf32, #tpu.memory_space<hbm>>
      %dma_start3A_73 = arith.constant 0 : i32
      %dma_start3A_74 = tpu.memref_slice %arg7[%mul3A_69, %dma_start3A_73] : memref<10000x16xf32, #tpu.memory_space<vmem_shared>> -> memref<625x16xf32, #tpu.memory_space<vmem_shared>>
      tpu.enqueue_dma source(%dma_start3A_74 : memref<625x16xf32, #tpu.memory_space<vmem_shared>>) target(%dma_start3A_72 : memref<625x16xf32, #tpu.memory_space<hbm>>) target_semaphore(%run_scoped3A : memref<!tpu.dma_semaphore, #tpu.memory_space<semaphore_mem>>)
      %dma_wait3A_75 = arith.constant 0 : i32
      %dma_wait3A_76 = tpu.memref_slice %arg6[%arg0, %mul3A_69, %dma_wait3A_75] : memref<2x10000x16xf32, #tpu.memory_space<hbm>> -> memref<1x625x16xf32, #tpu.memory_space<hbm>>
      %dma_wait3A_77 = tpu.memref_squeeze %dma_wait3A_76 : memref<1x625x16xf32, #tpu.memory_space<hbm>> -> memref<625x16xf32, #tpu.memory_space<hbm>>
      %dma_wait3A_78 = arith.constant 0 : i32
      %dma_wait3A_79 = tpu.memref_slice %arg7[%mul3A_69, %dma_wait3A_78] : memref<10000x16xf32, #tpu.memory_space<vmem_shared>> -> memref<625x16xf32, #tpu.memory_space<vmem_shared>>
      tpu.wait_dma2 semaphore(%run_scoped3A : memref<!tpu.dma_semaphore, #tpu.memory_space<semaphore_mem>>) src(%dma_wait3A_79 : memref<625x16xf32, #tpu.memory_space<vmem_shared>>) dst(%dma_wait3A_77 : memref<625x16xf32, #tpu.memory_space<hbm>>)
      tpu.yield
    }) : () -> ()
    return
  }
}

#map = affine_map<(d0, d1) -> (0, 0)>
#map1 = affine_map<(d0, d1) -> (0, 0, 0)>
module attributes {stable_mosaic.version = 14 : i64} {
  func.func @edge_kernel(%arg0: i32, %arg1: i32, %arg2: memref<10000x8xf32, #tpu.memory_space<hbm>>, %arg3: memref<10000x8xf32, #tpu.memory_space<hbm>>, %arg4: memref<32x80x125xi32, #tpu.memory_space<hbm>>, %arg5: memref<32x80x125xi32, #tpu.memory_space<hbm>>, %arg6: memref<2x10000x8xf32, #tpu.memory_space<hbm>>, %arg7: memref<10000x8xf32, #tpu.memory_space<vmem_shared>>, %arg8: memref<10000x8xf32, #tpu.memory_space<vmem_shared>>, %arg9: memref<125x8xf32, #tpu.memory_space<vmem>>, %arg10: memref<125x8xf32, #tpu.memory_space<vmem>>, %arg11: memref<125x8xf32, #tpu.memory_space<vmem>>, %arg12: memref<125x8xf32, #tpu.memory_space<vmem>>, %arg13: memref<80x125xi32, #tpu.memory_space<vmem>>, %arg14: memref<80x125xi32, #tpu.memory_space<vmem>>, %arg15: memref<!tpu.dma_semaphore, #tpu.memory_space<semaphore_mem>>, %arg16: memref<!tpu.dma_semaphore, #tpu.memory_space<semaphore_mem>>, %arg17: memref<!tpu.dma_semaphore, #tpu.memory_space<semaphore_mem>>, %arg18: memref<!tpu.dma_semaphore, #tpu.memory_space<semaphore_mem>>, %arg19: memref<!tpu.dma_semaphore, #tpu.memory_space<semaphore_mem>>, %arg20: memref<!tpu.dma_semaphore, #tpu.memory_space<semaphore_mem>>, %arg21: memref<!tpu.dma_semaphore, #tpu.memory_space<semaphore_mem>>, %arg22: memref<!tpu.dma_semaphore, #tpu.memory_space<semaphore_mem>>, %arg23: memref<!tpu.dma_semaphore, #tpu.memory_space<semaphore_mem>>, %arg24: memref<!tpu.dma_semaphore, #tpu.memory_space<semaphore_mem>>) attributes {dimension_semantics = [#tpu.dimension_semantics<core_parallel>, #tpu.dimension_semantics<subcore_parallel>], iteration_bounds = array<i64: 2, 16>, scalar_prefetch = 0 : i64, scratch_operands = 18 : i64, tpu.core_type = #tpu.core_type<sc_vector_subcore>, window_params = [{transform_indices = #map}, {transform_indices = #map}, {transform_indices = #map1}, {transform_indices = #map1}, {transform_indices = #map1}]} {
    %mul3A = arith.constant 2 : i32
    %mul3A_0 = arith.muli %arg1, %mul3A : i32
    %add3A = arith.addi %mul3A_0, %arg0 : i32
    %mul3A_1 = arith.constant 625 : i32
    %mul3A_2 = arith.muli %arg1, %mul3A_1 : i32
    %dma_start3A = arith.constant 0 : i32
    %dma_start3A_3 = arith.constant 0 : i32
    %dma_start3A_4 = tpu.memref_slice %arg4[%add3A, %dma_start3A, %dma_start3A_3] : memref<32x80x125xi32, #tpu.memory_space<hbm>> -> memref<1x80x125xi32, #tpu.memory_space<hbm>>
    %dma_start3A_5 = tpu.memref_squeeze %dma_start3A_4 : memref<1x80x125xi32, #tpu.memory_space<hbm>> -> memref<80x125xi32, #tpu.memory_space<hbm>>
    %dma_start3A_6 = arith.constant 0 : i32
    %dma_start3A_7 = arith.constant 0 : i32
    %dma_start3A_8 = tpu.memref_slice %arg4[%add3A, %dma_start3A_6, %dma_start3A_7] : memref<32x80x125xi32, #tpu.memory_space<hbm>> -> memref<1x80x125xi32, #tpu.memory_space<hbm>>
    %dma_start3A_9 = tpu.memref_squeeze %dma_start3A_8 : memref<1x80x125xi32, #tpu.memory_space<hbm>> -> memref<80x125xi32, #tpu.memory_space<hbm>>
    tpu.enqueue_dma source(%dma_start3A_9 : memref<80x125xi32, #tpu.memory_space<hbm>>) target(%arg13 : memref<80x125xi32, #tpu.memory_space<vmem>>) target_semaphore(%arg15 : memref<!tpu.dma_semaphore, #tpu.memory_space<semaphore_mem>>)
    %dma_start3A_10 = arith.constant 0 : i32
    %dma_start3A_11 = arith.constant 0 : i32
    %dma_start3A_12 = tpu.memref_slice %arg5[%add3A, %dma_start3A_10, %dma_start3A_11] : memref<32x80x125xi32, #tpu.memory_space<hbm>> -> memref<1x80x125xi32, #tpu.memory_space<hbm>>
    %dma_start3A_13 = tpu.memref_squeeze %dma_start3A_12 : memref<1x80x125xi32, #tpu.memory_space<hbm>> -> memref<80x125xi32, #tpu.memory_space<hbm>>
    %dma_start3A_14 = arith.constant 0 : i32
    %dma_start3A_15 = arith.constant 0 : i32
    %dma_start3A_16 = tpu.memref_slice %arg5[%add3A, %dma_start3A_14, %dma_start3A_15] : memref<32x80x125xi32, #tpu.memory_space<hbm>> -> memref<1x80x125xi32, #tpu.memory_space<hbm>>
    %dma_start3A_17 = tpu.memref_squeeze %dma_start3A_16 : memref<1x80x125xi32, #tpu.memory_space<hbm>> -> memref<80x125xi32, #tpu.memory_space<hbm>>
    tpu.enqueue_dma source(%dma_start3A_17 : memref<80x125xi32, #tpu.memory_space<hbm>>) target(%arg14 : memref<80x125xi32, #tpu.memory_space<vmem>>) target_semaphore(%arg16 : memref<!tpu.dma_semaphore, #tpu.memory_space<semaphore_mem>>)
    %mul3A_18 = arith.constant 625 : i32
    %mul3A_19 = arith.muli %arg1, %mul3A_18 : i32
    "tpu.region"() ({
      %run_scoped3A = tpu.sem_alloc : memref<!tpu.dma_semaphore, #tpu.memory_space<semaphore_mem>>
      %dma_start3A_70 = arith.constant 0 : i32
      %dma_start3A_71 = tpu.memref_slice %arg7[%mul3A_19, %dma_start3A_70] : memref<10000x8xf32, #tpu.memory_space<vmem_shared>> -> memref<625x8xf32, #tpu.memory_space<vmem_shared>>
      %dma_start3A_72 = arith.constant 0 : i32
      %dma_start3A_73 = tpu.memref_slice %arg3[%mul3A_19, %dma_start3A_72] : memref<10000x8xf32, #tpu.memory_space<hbm>> -> memref<625x8xf32, #tpu.memory_space<hbm>>
      tpu.enqueue_dma source(%dma_start3A_73 : memref<625x8xf32, #tpu.memory_space<hbm>>) target(%dma_start3A_71 : memref<625x8xf32, #tpu.memory_space<vmem_shared>>) target_semaphore(%run_scoped3A : memref<!tpu.dma_semaphore, #tpu.memory_space<semaphore_mem>>)
      %dma_wait3A_74 = arith.constant 0 : i32
      %dma_wait3A_75 = tpu.memref_slice %arg7[%mul3A_19, %dma_wait3A_74] : memref<10000x8xf32, #tpu.memory_space<vmem_shared>> -> memref<625x8xf32, #tpu.memory_space<vmem_shared>>
      %dma_wait3A_76 = arith.constant 0 : i32
      %dma_wait3A_77 = tpu.memref_slice %arg3[%mul3A_19, %dma_wait3A_76] : memref<10000x8xf32, #tpu.memory_space<hbm>> -> memref<625x8xf32, #tpu.memory_space<hbm>>
      tpu.wait_dma2 semaphore(%run_scoped3A : memref<!tpu.dma_semaphore, #tpu.memory_space<semaphore_mem>>) src(%dma_wait3A_77 : memref<625x8xf32, #tpu.memory_space<hbm>>) dst(%dma_wait3A_75 : memref<625x8xf32, #tpu.memory_space<vmem_shared>>)
      tpu.yield
    }) : () -> ()
    "tpu.region"() ({
      %run_scoped3A = tpu.sem_alloc : memref<!tpu.dma_semaphore, #tpu.memory_space<semaphore_mem>>
      %dma_start3A_70 = arith.constant 0 : i32
      %dma_start3A_71 = tpu.memref_slice %arg8[%mul3A_2, %dma_start3A_70] : memref<10000x8xf32, #tpu.memory_space<vmem_shared>> -> memref<625x8xf32, #tpu.memory_space<vmem_shared>>
      %dma_start3A_72 = arith.constant 0 : i32
      %dma_start3A_73 = tpu.memref_slice %arg2[%mul3A_2, %dma_start3A_72] : memref<10000x8xf32, #tpu.memory_space<hbm>> -> memref<625x8xf32, #tpu.memory_space<hbm>>
      tpu.enqueue_dma source(%dma_start3A_73 : memref<625x8xf32, #tpu.memory_space<hbm>>) target(%dma_start3A_71 : memref<625x8xf32, #tpu.memory_space<vmem_shared>>) target_semaphore(%run_scoped3A : memref<!tpu.dma_semaphore, #tpu.memory_space<semaphore_mem>>)
      %dma_wait3A_74 = arith.constant 0 : i32
      %dma_wait3A_75 = tpu.memref_slice %arg8[%mul3A_2, %dma_wait3A_74] : memref<10000x8xf32, #tpu.memory_space<vmem_shared>> -> memref<625x8xf32, #tpu.memory_space<vmem_shared>>
      %dma_wait3A_76 = arith.constant 0 : i32
      %dma_wait3A_77 = tpu.memref_slice %arg2[%mul3A_2, %dma_wait3A_76] : memref<10000x8xf32, #tpu.memory_space<hbm>> -> memref<625x8xf32, #tpu.memory_space<hbm>>
      tpu.wait_dma2 semaphore(%run_scoped3A : memref<!tpu.dma_semaphore, #tpu.memory_space<semaphore_mem>>) src(%dma_wait3A_77 : memref<625x8xf32, #tpu.memory_space<hbm>>) dst(%dma_wait3A_75 : memref<625x8xf32, #tpu.memory_space<vmem_shared>>)
      tpu.yield
    }) : () -> ()
    %barrier3A = arith.constant 0 : index
    tpu.barrier barrier_id(%barrier3A)
    %dma_wait3A = arith.constant 0 : i32
    %dma_wait3A_20 = arith.constant 0 : i32
    %dma_wait3A_21 = tpu.memref_slice %arg4[%add3A, %dma_wait3A, %dma_wait3A_20] : memref<32x80x125xi32, #tpu.memory_space<hbm>> -> memref<1x80x125xi32, #tpu.memory_space<hbm>>
    %dma_wait3A_22 = tpu.memref_squeeze %dma_wait3A_21 : memref<1x80x125xi32, #tpu.memory_space<hbm>> -> memref<80x125xi32, #tpu.memory_space<hbm>>
    %dma_wait3A_23 = arith.constant 0 : i32
    %dma_wait3A_24 = arith.constant 0 : i32
    %dma_wait3A_25 = tpu.memref_slice %arg4[%add3A, %dma_wait3A_23, %dma_wait3A_24] : memref<32x80x125xi32, #tpu.memory_space<hbm>> -> memref<1x80x125xi32, #tpu.memory_space<hbm>>
    %dma_wait3A_26 = tpu.memref_squeeze %dma_wait3A_25 : memref<1x80x125xi32, #tpu.memory_space<hbm>> -> memref<80x125xi32, #tpu.memory_space<hbm>>
    tpu.wait_dma2 semaphore(%arg15 : memref<!tpu.dma_semaphore, #tpu.memory_space<semaphore_mem>>) src(%dma_wait3A_26 : memref<80x125xi32, #tpu.memory_space<hbm>>) dst(%arg13 : memref<80x125xi32, #tpu.memory_space<vmem>>)
    %dma_wait3A_27 = arith.constant 0 : i32
    %dma_wait3A_28 = arith.constant 0 : i32
    %dma_wait3A_29 = tpu.memref_slice %arg5[%add3A, %dma_wait3A_27, %dma_wait3A_28] : memref<32x80x125xi32, #tpu.memory_space<hbm>> -> memref<1x80x125xi32, #tpu.memory_space<hbm>>
    %dma_wait3A_30 = tpu.memref_squeeze %dma_wait3A_29 : memref<1x80x125xi32, #tpu.memory_space<hbm>> -> memref<80x125xi32, #tpu.memory_space<hbm>>
    %dma_wait3A_31 = arith.constant 0 : i32
    %dma_wait3A_32 = arith.constant 0 : i32
    %dma_wait3A_33 = tpu.memref_slice %arg5[%add3A, %dma_wait3A_31, %dma_wait3A_32] : memref<32x80x125xi32, #tpu.memory_space<hbm>> -> memref<1x80x125xi32, #tpu.memory_space<hbm>>
    %dma_wait3A_34 = tpu.memref_squeeze %dma_wait3A_33 : memref<1x80x125xi32, #tpu.memory_space<hbm>> -> memref<80x125xi32, #tpu.memory_space<hbm>>
    tpu.wait_dma2 semaphore(%arg16 : memref<!tpu.dma_semaphore, #tpu.memory_space<semaphore_mem>>) src(%dma_wait3A_34 : memref<80x125xi32, #tpu.memory_space<hbm>>) dst(%arg14 : memref<80x125xi32, #tpu.memory_space<vmem>>)
    %scan3A = arith.constant 0 : i32
    %scan3A_35 = arith.constant 20 : i32
    %scan3A_36 = arith.addi %scan3A, %scan3A_35 : i32
    %scan3A_37 = arith.constant 1 : i32
    scf.for %scan3A_70 = %scan3A to %scan3A_36 step %scan3A_37  : i32 {
      %mul3A_71 = arith.constant 4 : i32
      %mul3A_72 = arith.muli %mul3A_71, %scan3A_70 : i32
      %add3A_73 = arith.constant 0 : i32
      %add3A_74 = arith.addi %mul3A_72, %add3A_73 : i32
      %gt3A = arith.constant 0 : i32
      %gt3A_75 = arith.cmpi sgt, %scan3A_70, %gt3A : i32
      %convert_element_type3A = arith.extui %gt3A_75 : i1 to i32
      %cond3A = arith.constant 0 : i32
      %cond3A_76 = arith.cmpi ne, %convert_element_type3A, %cond3A : i32
      scf.if %cond3A_76 {
        %sub3A = arith.constant 4 : i32
        %sub3A_192 = arith.subi %add3A_74, %sub3A : i32
        %dma_wait3A_193 = arith.constant 0 : i32
        %dma_wait3A_194 = tpu.memref_slice %arg14[%sub3A_192, %dma_wait3A_193] : memref<80x125xi32, #tpu.memory_space<vmem>> -> memref<1x125xi32, #tpu.memory_space<vmem>>
        %dma_wait3A_195 = tpu.memref_squeeze %dma_wait3A_194 : memref<1x125xi32, #tpu.memory_space<vmem>> -> memref<125xi32, #tpu.memory_space<vmem>>
        %dma_wait3A_196 = arith.constant 0 : i32
        %dma_wait3A_197 = arith.constant 0 : i32
        %dma_wait3A_198 = tpu.memref_slice %arg7[%dma_wait3A_196, %dma_wait3A_197] : memref<10000x8xf32, #tpu.memory_space<vmem_shared>> -> memref<10000x8xf32, #tpu.memory_space<vmem_shared>>
        tpu.wait_indirect_dma semaphore(%arg21 : memref<!tpu.dma_semaphore, #tpu.memory_space<semaphore_mem>>) src(%arg9 : memref<125x8xf32, #tpu.memory_space<vmem>>) dst(%dma_wait3A_198 : memref<10000x8xf32, #tpu.memory_space<vmem_shared>>)
      } else {
      }
      %dma_start3A_77 = arith.constant 0 : i32
      %dma_start3A_78 = tpu.memref_slice %arg13[%add3A_74, %dma_start3A_77] : memref<80x125xi32, #tpu.memory_space<vmem>> -> memref<1x125xi32, #tpu.memory_space<vmem>>
      %dma_start3A_79 = tpu.memref_squeeze %dma_start3A_78 : memref<1x125xi32, #tpu.memory_space<vmem>> -> memref<125xi32, #tpu.memory_space<vmem>>
      %dma_start3A_80 = arith.constant 0 : i32
      %dma_start3A_81 = arith.constant 0 : i32
      %dma_start3A_82 = tpu.memref_slice %arg8[%dma_start3A_80, %dma_start3A_81] : memref<10000x8xf32, #tpu.memory_space<vmem_shared>> -> memref<10000x8xf32, #tpu.memory_space<vmem_shared>>
      tpu.enqueue_indirect_dma source(%dma_start3A_82 : memref<10000x8xf32, #tpu.memory_space<vmem_shared>>) target(%arg9 : memref<125x8xf32, #tpu.memory_space<vmem>>) offsets(%dma_start3A_79 : memref<125xi32, #tpu.memory_space<vmem>>) semaphore(%arg17 : memref<!tpu.dma_semaphore, #tpu.memory_space<semaphore_mem>>)
      %mul3A_83 = arith.constant 4 : i32
      %mul3A_84 = arith.muli %mul3A_83, %scan3A_70 : i32
      %add3A_85 = arith.constant 1 : i32
      %add3A_86 = arith.addi %mul3A_84, %add3A_85 : i32
      %gt3A_87 = arith.constant 0 : i32
      %gt3A_88 = arith.cmpi sgt, %scan3A_70, %gt3A_87 : i32
      %convert_element_type3A_89 = arith.extui %gt3A_88 : i1 to i32
      %cond3A_90 = arith.constant 0 : i32
      %cond3A_91 = arith.cmpi ne, %convert_element_type3A_89, %cond3A_90 : i32
      scf.if %cond3A_91 {
        %sub3A = arith.constant 4 : i32
        %sub3A_192 = arith.subi %add3A_86, %sub3A : i32
        %dma_wait3A_193 = arith.constant 0 : i32
        %dma_wait3A_194 = tpu.memref_slice %arg14[%sub3A_192, %dma_wait3A_193] : memref<80x125xi32, #tpu.memory_space<vmem>> -> memref<1x125xi32, #tpu.memory_space<vmem>>
        %dma_wait3A_195 = tpu.memref_squeeze %dma_wait3A_194 : memref<1x125xi32, #tpu.memory_space<vmem>> -> memref<125xi32, #tpu.memory_space<vmem>>
        %dma_wait3A_196 = arith.constant 0 : i32
        %dma_wait3A_197 = arith.constant 0 : i32
        %dma_wait3A_198 = tpu.memref_slice %arg7[%dma_wait3A_196, %dma_wait3A_197] : memref<10000x8xf32, #tpu.memory_space<vmem_shared>> -> memref<10000x8xf32, #tpu.memory_space<vmem_shared>>
        tpu.wait_indirect_dma semaphore(%arg22 : memref<!tpu.dma_semaphore, #tpu.memory_space<semaphore_mem>>) src(%arg10 : memref<125x8xf32, #tpu.memory_space<vmem>>) dst(%dma_wait3A_198 : memref<10000x8xf32, #tpu.memory_space<vmem_shared>>)
      } else {
      }
      %dma_start3A_92 = arith.constant 0 : i32
      %dma_start3A_93 = tpu.memref_slice %arg13[%add3A_86, %dma_start3A_92] : memref<80x125xi32, #tpu.memory_space<vmem>> -> memref<1x125xi32, #tpu.memory_space<vmem>>
      %dma_start3A_94 = tpu.memref_squeeze %dma_start3A_93 : memref<1x125xi32, #tpu.memory_space<vmem>> -> memref<125xi32, #tpu.memory_space<vmem>>
      %dma_start3A_95 = arith.constant 0 : i32
      %dma_start3A_96 = arith.constant 0 : i32
      %dma_start3A_97 = tpu.memref_slice %arg8[%dma_start3A_95, %dma_start3A_96] : memref<10000x8xf32, #tpu.memory_space<vmem_shared>> -> memref<10000x8xf32, #tpu.memory_space<vmem_shared>>
      tpu.enqueue_indirect_dma source(%dma_start3A_97 : memref<10000x8xf32, #tpu.memory_space<vmem_shared>>) target(%arg10 : memref<125x8xf32, #tpu.memory_space<vmem>>) offsets(%dma_start3A_94 : memref<125xi32, #tpu.memory_space<vmem>>) semaphore(%arg18 : memref<!tpu.dma_semaphore, #tpu.memory_space<semaphore_mem>>)
      %mul3A_98 = arith.constant 4 : i32
      %mul3A_99 = arith.muli %mul3A_98, %scan3A_70 : i32
      %add3A_100 = arith.constant 2 : i32
      %add3A_101 = arith.addi %mul3A_99, %add3A_100 : i32
      %gt3A_102 = arith.constant 0 : i32
      %gt3A_103 = arith.cmpi sgt, %scan3A_70, %gt3A_102 : i32
      %convert_element_type3A_104 = arith.extui %gt3A_103 : i1 to i32
      %cond3A_105 = arith.constant 0 : i32
      %cond3A_106 = arith.cmpi ne, %convert_element_type3A_104, %cond3A_105 : i32
      scf.if %cond3A_106 {
        %sub3A = arith.constant 4 : i32
        %sub3A_192 = arith.subi %add3A_101, %sub3A : i32
        %dma_wait3A_193 = arith.constant 0 : i32
        %dma_wait3A_194 = tpu.memref_slice %arg14[%sub3A_192, %dma_wait3A_193] : memref<80x125xi32, #tpu.memory_space<vmem>> -> memref<1x125xi32, #tpu.memory_space<vmem>>
        %dma_wait3A_195 = tpu.memref_squeeze %dma_wait3A_194 : memref<1x125xi32, #tpu.memory_space<vmem>> -> memref<125xi32, #tpu.memory_space<vmem>>
        %dma_wait3A_196 = arith.constant 0 : i32
        %dma_wait3A_197 = arith.constant 0 : i32
        %dma_wait3A_198 = tpu.memref_slice %arg7[%dma_wait3A_196, %dma_wait3A_197] : memref<10000x8xf32, #tpu.memory_space<vmem_shared>> -> memref<10000x8xf32, #tpu.memory_space<vmem_shared>>
        tpu.wait_indirect_dma semaphore(%arg23 : memref<!tpu.dma_semaphore, #tpu.memory_space<semaphore_mem>>) src(%arg11 : memref<125x8xf32, #tpu.memory_space<vmem>>) dst(%dma_wait3A_198 : memref<10000x8xf32, #tpu.memory_space<vmem_shared>>)
      } else {
      }
      %dma_start3A_107 = arith.constant 0 : i32
      %dma_start3A_108 = tpu.memref_slice %arg13[%add3A_101, %dma_start3A_107] : memref<80x125xi32, #tpu.memory_space<vmem>> -> memref<1x125xi32, #tpu.memory_space<vmem>>
      %dma_start3A_109 = tpu.memref_squeeze %dma_start3A_108 : memref<1x125xi32, #tpu.memory_space<vmem>> -> memref<125xi32, #tpu.memory_space<vmem>>
      %dma_start3A_110 = arith.constant 0 : i32
      %dma_start3A_111 = arith.constant 0 : i32
      %dma_start3A_112 = tpu.memref_slice %arg8[%dma_start3A_110, %dma_start3A_111] : memref<10000x8xf32, #tpu.memory_space<vmem_shared>> -> memref<10000x8xf32, #tpu.memory_space<vmem_shared>>
      tpu.enqueue_indirect_dma source(%dma_start3A_112 : memref<10000x8xf32, #tpu.memory_space<vmem_shared>>) target(%arg11 : memref<125x8xf32, #tpu.memory_space<vmem>>) offsets(%dma_start3A_109 : memref<125xi32, #tpu.memory_space<vmem>>) semaphore(%arg19 : memref<!tpu.dma_semaphore, #tpu.memory_space<semaphore_mem>>)
      %mul3A_113 = arith.constant 4 : i32
      %mul3A_114 = arith.muli %mul3A_113, %scan3A_70 : i32
      %add3A_115 = arith.constant 3 : i32
      %add3A_116 = arith.addi %mul3A_114, %add3A_115 : i32
      %gt3A_117 = arith.constant 0 : i32
      %gt3A_118 = arith.cmpi sgt, %scan3A_70, %gt3A_117 : i32
      %convert_element_type3A_119 = arith.extui %gt3A_118 : i1 to i32
      %cond3A_120 = arith.constant 0 : i32
      %cond3A_121 = arith.cmpi ne, %convert_element_type3A_119, %cond3A_120 : i32
      scf.if %cond3A_121 {
        %sub3A = arith.constant 4 : i32
        %sub3A_192 = arith.subi %add3A_116, %sub3A : i32
        %dma_wait3A_193 = arith.constant 0 : i32
        %dma_wait3A_194 = tpu.memref_slice %arg14[%sub3A_192, %dma_wait3A_193] : memref<80x125xi32, #tpu.memory_space<vmem>> -> memref<1x125xi32, #tpu.memory_space<vmem>>
        %dma_wait3A_195 = tpu.memref_squeeze %dma_wait3A_194 : memref<1x125xi32, #tpu.memory_space<vmem>> -> memref<125xi32, #tpu.memory_space<vmem>>
        %dma_wait3A_196 = arith.constant 0 : i32
        %dma_wait3A_197 = arith.constant 0 : i32
        %dma_wait3A_198 = tpu.memref_slice %arg7[%dma_wait3A_196, %dma_wait3A_197] : memref<10000x8xf32, #tpu.memory_space<vmem_shared>> -> memref<10000x8xf32, #tpu.memory_space<vmem_shared>>
        tpu.wait_indirect_dma semaphore(%arg24 : memref<!tpu.dma_semaphore, #tpu.memory_space<semaphore_mem>>) src(%arg12 : memref<125x8xf32, #tpu.memory_space<vmem>>) dst(%dma_wait3A_198 : memref<10000x8xf32, #tpu.memory_space<vmem_shared>>)
      } else {
      }
      %dma_start3A_122 = arith.constant 0 : i32
      %dma_start3A_123 = tpu.memref_slice %arg13[%add3A_116, %dma_start3A_122] : memref<80x125xi32, #tpu.memory_space<vmem>> -> memref<1x125xi32, #tpu.memory_space<vmem>>
      %dma_start3A_124 = tpu.memref_squeeze %dma_start3A_123 : memref<1x125xi32, #tpu.memory_space<vmem>> -> memref<125xi32, #tpu.memory_space<vmem>>
      %dma_start3A_125 = arith.constant 0 : i32
      %dma_start3A_126 = arith.constant 0 : i32
      %dma_start3A_127 = tpu.memref_slice %arg8[%dma_start3A_125, %dma_start3A_126] : memref<10000x8xf32, #tpu.memory_space<vmem_shared>> -> memref<10000x8xf32, #tpu.memory_space<vmem_shared>>
      tpu.enqueue_indirect_dma source(%dma_start3A_127 : memref<10000x8xf32, #tpu.memory_space<vmem_shared>>) target(%arg12 : memref<125x8xf32, #tpu.memory_space<vmem>>) offsets(%dma_start3A_124 : memref<125xi32, #tpu.memory_space<vmem>>) semaphore(%arg20 : memref<!tpu.dma_semaphore, #tpu.memory_space<semaphore_mem>>)
      %mul3A_128 = arith.constant 4 : i32
      %mul3A_129 = arith.muli %mul3A_128, %scan3A_70 : i32
      %add3A_130 = arith.constant 0 : i32
      %add3A_131 = arith.addi %mul3A_129, %add3A_130 : i32
      %dma_wait3A_132 = arith.constant 0 : i32
      %dma_wait3A_133 = tpu.memref_slice %arg13[%add3A_131, %dma_wait3A_132] : memref<80x125xi32, #tpu.memory_space<vmem>> -> memref<1x125xi32, #tpu.memory_space<vmem>>
      %dma_wait3A_134 = tpu.memref_squeeze %dma_wait3A_133 : memref<1x125xi32, #tpu.memory_space<vmem>> -> memref<125xi32, #tpu.memory_space<vmem>>
      %dma_wait3A_135 = arith.constant 0 : i32
      %dma_wait3A_136 = arith.constant 0 : i32
      %dma_wait3A_137 = tpu.memref_slice %arg8[%dma_wait3A_135, %dma_wait3A_136] : memref<10000x8xf32, #tpu.memory_space<vmem_shared>> -> memref<10000x8xf32, #tpu.memory_space<vmem_shared>>
      tpu.wait_indirect_dma semaphore(%arg17 : memref<!tpu.dma_semaphore, #tpu.memory_space<semaphore_mem>>) src(%dma_wait3A_137 : memref<10000x8xf32, #tpu.memory_space<vmem_shared>>) dst(%arg9 : memref<125x8xf32, #tpu.memory_space<vmem>>)
      %dma_start3A_138 = arith.constant 0 : i32
      %dma_start3A_139 = tpu.memref_slice %arg14[%add3A_131, %dma_start3A_138] : memref<80x125xi32, #tpu.memory_space<vmem>> -> memref<1x125xi32, #tpu.memory_space<vmem>>
      %dma_start3A_140 = tpu.memref_squeeze %dma_start3A_139 : memref<1x125xi32, #tpu.memory_space<vmem>> -> memref<125xi32, #tpu.memory_space<vmem>>
      %dma_start3A_141 = arith.constant 0 : i32
      %dma_start3A_142 = arith.constant 0 : i32
      %dma_start3A_143 = tpu.memref_slice %arg7[%dma_start3A_141, %dma_start3A_142] : memref<10000x8xf32, #tpu.memory_space<vmem_shared>> -> memref<10000x8xf32, #tpu.memory_space<vmem_shared>>
      tpu.enqueue_indirect_dma source(%arg9 : memref<125x8xf32, #tpu.memory_space<vmem>>) target(%dma_start3A_143 : memref<10000x8xf32, #tpu.memory_space<vmem_shared>>) offsets(%dma_start3A_140 : memref<125xi32, #tpu.memory_space<vmem>>) semaphore(%arg21 : memref<!tpu.dma_semaphore, #tpu.memory_space<semaphore_mem>>) {add = true}
      %mul3A_144 = arith.constant 4 : i32
      %mul3A_145 = arith.muli %mul3A_144, %scan3A_70 : i32
      %add3A_146 = arith.constant 1 : i32
      %add3A_147 = arith.addi %mul3A_145, %add3A_146 : i32
      %dma_wait3A_148 = arith.constant 0 : i32
      %dma_wait3A_149 = tpu.memref_slice %arg13[%add3A_147, %dma_wait3A_148] : memref<80x125xi32, #tpu.memory_space<vmem>> -> memref<1x125xi32, #tpu.memory_space<vmem>>
      %dma_wait3A_150 = tpu.memref_squeeze %dma_wait3A_149 : memref<1x125xi32, #tpu.memory_space<vmem>> -> memref<125xi32, #tpu.memory_space<vmem>>
      %dma_wait3A_151 = arith.constant 0 : i32
      %dma_wait3A_152 = arith.constant 0 : i32
      %dma_wait3A_153 = tpu.memref_slice %arg8[%dma_wait3A_151, %dma_wait3A_152] : memref<10000x8xf32, #tpu.memory_space<vmem_shared>> -> memref<10000x8xf32, #tpu.memory_space<vmem_shared>>
      tpu.wait_indirect_dma semaphore(%arg18 : memref<!tpu.dma_semaphore, #tpu.memory_space<semaphore_mem>>) src(%dma_wait3A_153 : memref<10000x8xf32, #tpu.memory_space<vmem_shared>>) dst(%arg10 : memref<125x8xf32, #tpu.memory_space<vmem>>)
      %dma_start3A_154 = arith.constant 0 : i32
      %dma_start3A_155 = tpu.memref_slice %arg14[%add3A_147, %dma_start3A_154] : memref<80x125xi32, #tpu.memory_space<vmem>> -> memref<1x125xi32, #tpu.memory_space<vmem>>
      %dma_start3A_156 = tpu.memref_squeeze %dma_start3A_155 : memref<1x125xi32, #tpu.memory_space<vmem>> -> memref<125xi32, #tpu.memory_space<vmem>>
      %dma_start3A_157 = arith.constant 0 : i32
      %dma_start3A_158 = arith.constant 0 : i32
      %dma_start3A_159 = tpu.memref_slice %arg7[%dma_start3A_157, %dma_start3A_158] : memref<10000x8xf32, #tpu.memory_space<vmem_shared>> -> memref<10000x8xf32, #tpu.memory_space<vmem_shared>>
      tpu.enqueue_indirect_dma source(%arg10 : memref<125x8xf32, #tpu.memory_space<vmem>>) target(%dma_start3A_159 : memref<10000x8xf32, #tpu.memory_space<vmem_shared>>) offsets(%dma_start3A_156 : memref<125xi32, #tpu.memory_space<vmem>>) semaphore(%arg22 : memref<!tpu.dma_semaphore, #tpu.memory_space<semaphore_mem>>) {add = true}
      %mul3A_160 = arith.constant 4 : i32
      %mul3A_161 = arith.muli %mul3A_160, %scan3A_70 : i32
      %add3A_162 = arith.constant 2 : i32
      %add3A_163 = arith.addi %mul3A_161, %add3A_162 : i32
      %dma_wait3A_164 = arith.constant 0 : i32
      %dma_wait3A_165 = tpu.memref_slice %arg13[%add3A_163, %dma_wait3A_164] : memref<80x125xi32, #tpu.memory_space<vmem>> -> memref<1x125xi32, #tpu.memory_space<vmem>>
      %dma_wait3A_166 = tpu.memref_squeeze %dma_wait3A_165 : memref<1x125xi32, #tpu.memory_space<vmem>> -> memref<125xi32, #tpu.memory_space<vmem>>
      %dma_wait3A_167 = arith.constant 0 : i32
      %dma_wait3A_168 = arith.constant 0 : i32
      %dma_wait3A_169 = tpu.memref_slice %arg8[%dma_wait3A_167, %dma_wait3A_168] : memref<10000x8xf32, #tpu.memory_space<vmem_shared>> -> memref<10000x8xf32, #tpu.memory_space<vmem_shared>>
      tpu.wait_indirect_dma semaphore(%arg19 : memref<!tpu.dma_semaphore, #tpu.memory_space<semaphore_mem>>) src(%dma_wait3A_169 : memref<10000x8xf32, #tpu.memory_space<vmem_shared>>) dst(%arg11 : memref<125x8xf32, #tpu.memory_space<vmem>>)
      %dma_start3A_170 = arith.constant 0 : i32
      %dma_start3A_171 = tpu.memref_slice %arg14[%add3A_163, %dma_start3A_170] : memref<80x125xi32, #tpu.memory_space<vmem>> -> memref<1x125xi32, #tpu.memory_space<vmem>>
      %dma_start3A_172 = tpu.memref_squeeze %dma_start3A_171 : memref<1x125xi32, #tpu.memory_space<vmem>> -> memref<125xi32, #tpu.memory_space<vmem>>
      %dma_start3A_173 = arith.constant 0 : i32
      %dma_start3A_174 = arith.constant 0 : i32
      %dma_start3A_175 = tpu.memref_slice %arg7[%dma_start3A_173, %dma_start3A_174] : memref<10000x8xf32, #tpu.memory_space<vmem_shared>> -> memref<10000x8xf32, #tpu.memory_space<vmem_shared>>
      tpu.enqueue_indirect_dma source(%arg11 : memref<125x8xf32, #tpu.memory_space<vmem>>) target(%dma_start3A_175 : memref<10000x8xf32, #tpu.memory_space<vmem_shared>>) offsets(%dma_start3A_172 : memref<125xi32, #tpu.memory_space<vmem>>) semaphore(%arg23 : memref<!tpu.dma_semaphore, #tpu.memory_space<semaphore_mem>>) {add = true}
      %mul3A_176 = arith.constant 4 : i32
      %mul3A_177 = arith.muli %mul3A_176, %scan3A_70 : i32
      %add3A_178 = arith.constant 3 : i32
      %add3A_179 = arith.addi %mul3A_177, %add3A_178 : i32
      %dma_wait3A_180 = arith.constant 0 : i32
      %dma_wait3A_181 = tpu.memref_slice %arg13[%add3A_179, %dma_wait3A_180] : memref<80x125xi32, #tpu.memory_space<vmem>> -> memref<1x125xi32, #tpu.memory_space<vmem>>
      %dma_wait3A_182 = tpu.memref_squeeze %dma_wait3A_181 : memref<1x125xi32, #tpu.memory_space<vmem>> -> memref<125xi32, #tpu.memory_space<vmem>>
      %dma_wait3A_183 = arith.constant 0 : i32
      %dma_wait3A_184 = arith.constant 0 : i32
      %dma_wait3A_185 = tpu.memref_slice %arg8[%dma_wait3A_183, %dma_wait3A_184] : memref<10000x8xf32, #tpu.memory_space<vmem_shared>> -> memref<10000x8xf32, #tpu.memory_space<vmem_shared>>
      tpu.wait_indirect_dma semaphore(%arg20 : memref<!tpu.dma_semaphore, #tpu.memory_space<semaphore_mem>>) src(%dma_wait3A_185 : memref<10000x8xf32, #tpu.memory_space<vmem_shared>>) dst(%arg12 : memref<125x8xf32, #tpu.memory_space<vmem>>)
      %dma_start3A_186 = arith.constant 0 : i32
      %dma_start3A_187 = tpu.memref_slice %arg14[%add3A_179, %dma_start3A_186] : memref<80x125xi32, #tpu.memory_space<vmem>> -> memref<1x125xi32, #tpu.memory_space<vmem>>
      %dma_start3A_188 = tpu.memref_squeeze %dma_start3A_187 : memref<1x125xi32, #tpu.memory_space<vmem>> -> memref<125xi32, #tpu.memory_space<vmem>>
      %dma_start3A_189 = arith.constant 0 : i32
      %dma_start3A_190 = arith.constant 0 : i32
      %dma_start3A_191 = tpu.memref_slice %arg7[%dma_start3A_189, %dma_start3A_190] : memref<10000x8xf32, #tpu.memory_space<vmem_shared>> -> memref<10000x8xf32, #tpu.memory_space<vmem_shared>>
      tpu.enqueue_indirect_dma source(%arg12 : memref<125x8xf32, #tpu.memory_space<vmem>>) target(%dma_start3A_191 : memref<10000x8xf32, #tpu.memory_space<vmem_shared>>) offsets(%dma_start3A_188 : memref<125xi32, #tpu.memory_space<vmem>>) semaphore(%arg24 : memref<!tpu.dma_semaphore, #tpu.memory_space<semaphore_mem>>) {add = true}
    }
    %scan3A_38 = arith.constant 20 : i32
    %dma_wait3A_39 = arith.constant 76 : i32
    %dma_wait3A_40 = arith.constant 0 : i32
    %dma_wait3A_41 = tpu.memref_slice %arg14[%dma_wait3A_39, %dma_wait3A_40] : memref<80x125xi32, #tpu.memory_space<vmem>> -> memref<1x125xi32, #tpu.memory_space<vmem>>
    %dma_wait3A_42 = tpu.memref_squeeze %dma_wait3A_41 : memref<1x125xi32, #tpu.memory_space<vmem>> -> memref<125xi32, #tpu.memory_space<vmem>>
    %dma_wait3A_43 = arith.constant 0 : i32
    %dma_wait3A_44 = arith.constant 0 : i32
    %dma_wait3A_45 = tpu.memref_slice %arg7[%dma_wait3A_43, %dma_wait3A_44] : memref<10000x8xf32, #tpu.memory_space<vmem_shared>> -> memref<10000x8xf32, #tpu.memory_space<vmem_shared>>
    tpu.wait_indirect_dma semaphore(%arg21 : memref<!tpu.dma_semaphore, #tpu.memory_space<semaphore_mem>>) src(%arg9 : memref<125x8xf32, #tpu.memory_space<vmem>>) dst(%dma_wait3A_45 : memref<10000x8xf32, #tpu.memory_space<vmem_shared>>)
    %dma_wait3A_46 = arith.constant 77 : i32
    %dma_wait3A_47 = arith.constant 0 : i32
    %dma_wait3A_48 = tpu.memref_slice %arg14[%dma_wait3A_46, %dma_wait3A_47] : memref<80x125xi32, #tpu.memory_space<vmem>> -> memref<1x125xi32, #tpu.memory_space<vmem>>
    %dma_wait3A_49 = tpu.memref_squeeze %dma_wait3A_48 : memref<1x125xi32, #tpu.memory_space<vmem>> -> memref<125xi32, #tpu.memory_space<vmem>>
    %dma_wait3A_50 = arith.constant 0 : i32
    %dma_wait3A_51 = arith.constant 0 : i32
    %dma_wait3A_52 = tpu.memref_slice %arg7[%dma_wait3A_50, %dma_wait3A_51] : memref<10000x8xf32, #tpu.memory_space<vmem_shared>> -> memref<10000x8xf32, #tpu.memory_space<vmem_shared>>
    tpu.wait_indirect_dma semaphore(%arg22 : memref<!tpu.dma_semaphore, #tpu.memory_space<semaphore_mem>>) src(%arg10 : memref<125x8xf32, #tpu.memory_space<vmem>>) dst(%dma_wait3A_52 : memref<10000x8xf32, #tpu.memory_space<vmem_shared>>)
    %dma_wait3A_53 = arith.constant 78 : i32
    %dma_wait3A_54 = arith.constant 0 : i32
    %dma_wait3A_55 = tpu.memref_slice %arg14[%dma_wait3A_53, %dma_wait3A_54] : memref<80x125xi32, #tpu.memory_space<vmem>> -> memref<1x125xi32, #tpu.memory_space<vmem>>
    %dma_wait3A_56 = tpu.memref_squeeze %dma_wait3A_55 : memref<1x125xi32, #tpu.memory_space<vmem>> -> memref<125xi32, #tpu.memory_space<vmem>>
    %dma_wait3A_57 = arith.constant 0 : i32
    %dma_wait3A_58 = arith.constant 0 : i32
    %dma_wait3A_59 = tpu.memref_slice %arg7[%dma_wait3A_57, %dma_wait3A_58] : memref<10000x8xf32, #tpu.memory_space<vmem_shared>> -> memref<10000x8xf32, #tpu.memory_space<vmem_shared>>
    tpu.wait_indirect_dma semaphore(%arg23 : memref<!tpu.dma_semaphore, #tpu.memory_space<semaphore_mem>>) src(%arg11 : memref<125x8xf32, #tpu.memory_space<vmem>>) dst(%dma_wait3A_59 : memref<10000x8xf32, #tpu.memory_space<vmem_shared>>)
    %dma_wait3A_60 = arith.constant 79 : i32
    %dma_wait3A_61 = arith.constant 0 : i32
    %dma_wait3A_62 = tpu.memref_slice %arg14[%dma_wait3A_60, %dma_wait3A_61] : memref<80x125xi32, #tpu.memory_space<vmem>> -> memref<1x125xi32, #tpu.memory_space<vmem>>
    %dma_wait3A_63 = tpu.memref_squeeze %dma_wait3A_62 : memref<1x125xi32, #tpu.memory_space<vmem>> -> memref<125xi32, #tpu.memory_space<vmem>>
    %dma_wait3A_64 = arith.constant 0 : i32
    %dma_wait3A_65 = arith.constant 0 : i32
    %dma_wait3A_66 = tpu.memref_slice %arg7[%dma_wait3A_64, %dma_wait3A_65] : memref<10000x8xf32, #tpu.memory_space<vmem_shared>> -> memref<10000x8xf32, #tpu.memory_space<vmem_shared>>
    tpu.wait_indirect_dma semaphore(%arg24 : memref<!tpu.dma_semaphore, #tpu.memory_space<semaphore_mem>>) src(%arg12 : memref<125x8xf32, #tpu.memory_space<vmem>>) dst(%dma_wait3A_66 : memref<10000x8xf32, #tpu.memory_space<vmem_shared>>)
    %barrier3A_67 = arith.constant 0 : index
    tpu.barrier barrier_id(%barrier3A_67)
    %mul3A_68 = arith.constant 625 : i32
    %mul3A_69 = arith.muli %arg1, %mul3A_68 : i32
    "tpu.region"() ({
      %run_scoped3A = tpu.sem_alloc : memref<!tpu.dma_semaphore, #tpu.memory_space<semaphore_mem>>
      %dma_start3A_70 = arith.constant 0 : i32
      %dma_start3A_71 = tpu.memref_slice %arg6[%arg0, %mul3A_69, %dma_start3A_70] : memref<2x10000x8xf32, #tpu.memory_space<hbm>> -> memref<1x625x8xf32, #tpu.memory_space<hbm>>
      %dma_start3A_72 = tpu.memref_squeeze %dma_start3A_71 : memref<1x625x8xf32, #tpu.memory_space<hbm>> -> memref<625x8xf32, #tpu.memory_space<hbm>>
      %dma_start3A_73 = arith.constant 0 : i32
      %dma_start3A_74 = tpu.memref_slice %arg7[%mul3A_69, %dma_start3A_73] : memref<10000x8xf32, #tpu.memory_space<vmem_shared>> -> memref<625x8xf32, #tpu.memory_space<vmem_shared>>
      tpu.enqueue_dma source(%dma_start3A_74 : memref<625x8xf32, #tpu.memory_space<vmem_shared>>) target(%dma_start3A_72 : memref<625x8xf32, #tpu.memory_space<hbm>>) target_semaphore(%run_scoped3A : memref<!tpu.dma_semaphore, #tpu.memory_space<semaphore_mem>>)
      %dma_wait3A_75 = arith.constant 0 : i32
      %dma_wait3A_76 = tpu.memref_slice %arg6[%arg0, %mul3A_69, %dma_wait3A_75] : memref<2x10000x8xf32, #tpu.memory_space<hbm>> -> memref<1x625x8xf32, #tpu.memory_space<hbm>>
      %dma_wait3A_77 = tpu.memref_squeeze %dma_wait3A_76 : memref<1x625x8xf32, #tpu.memory_space<hbm>> -> memref<625x8xf32, #tpu.memory_space<hbm>>
      %dma_wait3A_78 = arith.constant 0 : i32
      %dma_wait3A_79 = tpu.memref_slice %arg7[%mul3A_69, %dma_wait3A_78] : memref<10000x8xf32, #tpu.memory_space<vmem_shared>> -> memref<625x8xf32, #tpu.memory_space<vmem_shared>>
      tpu.wait_dma2 semaphore(%run_scoped3A : memref<!tpu.dma_semaphore, #tpu.memory_space<semaphore_mem>>) src(%dma_wait3A_79 : memref<625x8xf32, #tpu.memory_space<vmem_shared>>) dst(%dma_wait3A_77 : memref<625x8xf32, #tpu.memory_space<hbm>>)
      tpu.yield
    }) : () -> ()
    return
  }
}

#map = affine_map<(d0, d1) -> (0, 0, 0)>
#map1 = affine_map<(d0, d1) -> (0, 0)>
module attributes {stable_mosaic.version = 14 : i64} {
  func.func @_deg_kernel(%arg0: i32, %arg1: i32, %arg2: memref<32x80x125xi32, #tpu.memory_space<hbm>>, %arg3: memref<10000x8xf32, #tpu.memory_space<hbm>>, %arg4: memref<125x8xf32, #tpu.memory_space<hbm>>, %arg5: memref<2x10000x8xf32, #tpu.memory_space<hbm>>, %arg6: memref<10000x8xf32, #tpu.memory_space<vmem_shared>>, %arg7: memref<125x8xf32, #tpu.memory_space<vmem>>, %arg8: memref<80x125xi32, #tpu.memory_space<vmem>>, %arg9: memref<!tpu.dma_semaphore, #tpu.memory_space<semaphore_mem>>, %arg10: memref<!tpu.dma_semaphore, #tpu.memory_space<semaphore_mem>>, %arg11: memref<!tpu.dma_semaphore, #tpu.memory_space<semaphore_mem>>, %arg12: memref<!tpu.dma_semaphore, #tpu.memory_space<semaphore_mem>>, %arg13: memref<!tpu.dma_semaphore, #tpu.memory_space<semaphore_mem>>) attributes {dimension_semantics = [#tpu.dimension_semantics<core_parallel>, #tpu.dimension_semantics<subcore_parallel>], iteration_bounds = array<i64: 2, 16>, scalar_prefetch = 0 : i64, scratch_operands = 8 : i64, tpu.core_type = #tpu.core_type<sc_vector_subcore>, window_params = [{transform_indices = #map}, {transform_indices = #map1}, {transform_indices = #map1}, {transform_indices = #map}]} {
    %mul3A = arith.constant 2 : i32
    %mul3A_0 = arith.muli %arg1, %mul3A : i32
    %add3A = arith.addi %mul3A_0, %arg0 : i32
    %dma_start3A = arith.constant 0 : i32
    %dma_start3A_1 = arith.constant 0 : i32
    %dma_start3A_2 = tpu.memref_slice %arg2[%add3A, %dma_start3A, %dma_start3A_1] : memref<32x80x125xi32, #tpu.memory_space<hbm>> -> memref<1x80x125xi32, #tpu.memory_space<hbm>>
    %dma_start3A_3 = tpu.memref_squeeze %dma_start3A_2 : memref<1x80x125xi32, #tpu.memory_space<hbm>> -> memref<80x125xi32, #tpu.memory_space<hbm>>
    %dma_start3A_4 = arith.constant 0 : i32
    %dma_start3A_5 = arith.constant 0 : i32
    %dma_start3A_6 = tpu.memref_slice %arg2[%add3A, %dma_start3A_4, %dma_start3A_5] : memref<32x80x125xi32, #tpu.memory_space<hbm>> -> memref<1x80x125xi32, #tpu.memory_space<hbm>>
    %dma_start3A_7 = tpu.memref_squeeze %dma_start3A_6 : memref<1x80x125xi32, #tpu.memory_space<hbm>> -> memref<80x125xi32, #tpu.memory_space<hbm>>
    tpu.enqueue_dma source(%dma_start3A_7 : memref<80x125xi32, #tpu.memory_space<hbm>>) target(%arg8 : memref<80x125xi32, #tpu.memory_space<vmem>>) target_semaphore(%arg9 : memref<!tpu.dma_semaphore, #tpu.memory_space<semaphore_mem>>)
    %mul3A_8 = arith.constant 625 : i32
    %mul3A_9 = arith.muli %arg1, %mul3A_8 : i32
    "tpu.region"() ({
      %run_scoped3A = tpu.sem_alloc : memref<!tpu.dma_semaphore, #tpu.memory_space<semaphore_mem>>
      %dma_start3A_52 = arith.constant 0 : i32
      %dma_start3A_53 = tpu.memref_slice %arg6[%mul3A_9, %dma_start3A_52] : memref<10000x8xf32, #tpu.memory_space<vmem_shared>> -> memref<625x8xf32, #tpu.memory_space<vmem_shared>>
      %dma_start3A_54 = arith.constant 0 : i32
      %dma_start3A_55 = tpu.memref_slice %arg3[%mul3A_9, %dma_start3A_54] : memref<10000x8xf32, #tpu.memory_space<hbm>> -> memref<625x8xf32, #tpu.memory_space<hbm>>
      tpu.enqueue_dma source(%dma_start3A_55 : memref<625x8xf32, #tpu.memory_space<hbm>>) target(%dma_start3A_53 : memref<625x8xf32, #tpu.memory_space<vmem_shared>>) target_semaphore(%run_scoped3A : memref<!tpu.dma_semaphore, #tpu.memory_space<semaphore_mem>>)
      %dma_wait3A_56 = arith.constant 0 : i32
      %dma_wait3A_57 = tpu.memref_slice %arg6[%mul3A_9, %dma_wait3A_56] : memref<10000x8xf32, #tpu.memory_space<vmem_shared>> -> memref<625x8xf32, #tpu.memory_space<vmem_shared>>
      %dma_wait3A_58 = arith.constant 0 : i32
      %dma_wait3A_59 = tpu.memref_slice %arg3[%mul3A_9, %dma_wait3A_58] : memref<10000x8xf32, #tpu.memory_space<hbm>> -> memref<625x8xf32, #tpu.memory_space<hbm>>
      tpu.wait_dma2 semaphore(%run_scoped3A : memref<!tpu.dma_semaphore, #tpu.memory_space<semaphore_mem>>) src(%dma_wait3A_59 : memref<625x8xf32, #tpu.memory_space<hbm>>) dst(%dma_wait3A_57 : memref<625x8xf32, #tpu.memory_space<vmem_shared>>)
      tpu.yield
    }) : () -> ()
    "tpu.region"() ({
      %run_scoped3A = tpu.sem_alloc : memref<!tpu.dma_semaphore, #tpu.memory_space<semaphore_mem>>
      tpu.enqueue_dma source(%arg4 : memref<125x8xf32, #tpu.memory_space<hbm>>) target(%arg7 : memref<125x8xf32, #tpu.memory_space<vmem>>) target_semaphore(%run_scoped3A : memref<!tpu.dma_semaphore, #tpu.memory_space<semaphore_mem>>)
      tpu.wait_dma2 semaphore(%run_scoped3A : memref<!tpu.dma_semaphore, #tpu.memory_space<semaphore_mem>>) src(%arg4 : memref<125x8xf32, #tpu.memory_space<hbm>>) dst(%arg7 : memref<125x8xf32, #tpu.memory_space<vmem>>)
      tpu.yield
    }) : () -> ()
    %barrier3A = arith.constant 0 : index
    tpu.barrier barrier_id(%barrier3A)
    %dma_wait3A = arith.constant 0 : i32
    %dma_wait3A_10 = arith.constant 0 : i32
    %dma_wait3A_11 = tpu.memref_slice %arg2[%add3A, %dma_wait3A, %dma_wait3A_10] : memref<32x80x125xi32, #tpu.memory_space<hbm>> -> memref<1x80x125xi32, #tpu.memory_space<hbm>>
    %dma_wait3A_12 = tpu.memref_squeeze %dma_wait3A_11 : memref<1x80x125xi32, #tpu.memory_space<hbm>> -> memref<80x125xi32, #tpu.memory_space<hbm>>
    %dma_wait3A_13 = arith.constant 0 : i32
    %dma_wait3A_14 = arith.constant 0 : i32
    %dma_wait3A_15 = tpu.memref_slice %arg2[%add3A, %dma_wait3A_13, %dma_wait3A_14] : memref<32x80x125xi32, #tpu.memory_space<hbm>> -> memref<1x80x125xi32, #tpu.memory_space<hbm>>
    %dma_wait3A_16 = tpu.memref_squeeze %dma_wait3A_15 : memref<1x80x125xi32, #tpu.memory_space<hbm>> -> memref<80x125xi32, #tpu.memory_space<hbm>>
    tpu.wait_dma2 semaphore(%arg9 : memref<!tpu.dma_semaphore, #tpu.memory_space<semaphore_mem>>) src(%dma_wait3A_16 : memref<80x125xi32, #tpu.memory_space<hbm>>) dst(%arg8 : memref<80x125xi32, #tpu.memory_space<vmem>>)
    %scan3A = arith.constant 0 : i32
    %scan3A_17 = arith.constant 20 : i32
    %scan3A_18 = arith.addi %scan3A, %scan3A_17 : i32
    %scan3A_19 = arith.constant 1 : i32
    scf.for %scan3A_52 = %scan3A to %scan3A_18 step %scan3A_19  : i32 {
      %mul3A_53 = arith.constant 4 : i32
      %mul3A_54 = arith.muli %mul3A_53, %scan3A_52 : i32
      %add3A_55 = arith.constant 0 : i32
      %add3A_56 = arith.addi %mul3A_54, %add3A_55 : i32
      %gt3A = arith.constant 0 : i32
      %gt3A_57 = arith.cmpi sgt, %scan3A_52, %gt3A : i32
      %convert_element_type3A = arith.extui %gt3A_57 : i1 to i32
      %cond3A = arith.constant 0 : i32
      %cond3A_58 = arith.cmpi ne, %convert_element_type3A, %cond3A : i32
      scf.if %cond3A_58 {
        %sub3A = arith.constant 4 : i32
        %sub3A_110 = arith.subi %add3A_56, %sub3A : i32
        %dma_wait3A_111 = arith.constant 0 : i32
        %dma_wait3A_112 = tpu.memref_slice %arg8[%sub3A_110, %dma_wait3A_111] : memref<80x125xi32, #tpu.memory_space<vmem>> -> memref<1x125xi32, #tpu.memory_space<vmem>>
        %dma_wait3A_113 = tpu.memref_squeeze %dma_wait3A_112 : memref<1x125xi32, #tpu.memory_space<vmem>> -> memref<125xi32, #tpu.memory_space<vmem>>
        %dma_wait3A_114 = arith.constant 0 : i32
        %dma_wait3A_115 = arith.constant 0 : i32
        %dma_wait3A_116 = tpu.memref_slice %arg6[%dma_wait3A_114, %dma_wait3A_115] : memref<10000x8xf32, #tpu.memory_space<vmem_shared>> -> memref<10000x8xf32, #tpu.memory_space<vmem_shared>>
        tpu.wait_indirect_dma semaphore(%arg10 : memref<!tpu.dma_semaphore, #tpu.memory_space<semaphore_mem>>) src(%arg7 : memref<125x8xf32, #tpu.memory_space<vmem>>) dst(%dma_wait3A_116 : memref<10000x8xf32, #tpu.memory_space<vmem_shared>>)
      } else {
      }
      %dma_start3A_59 = arith.constant 0 : i32
      %dma_start3A_60 = tpu.memref_slice %arg8[%add3A_56, %dma_start3A_59] : memref<80x125xi32, #tpu.memory_space<vmem>> -> memref<1x125xi32, #tpu.memory_space<vmem>>
      %dma_start3A_61 = tpu.memref_squeeze %dma_start3A_60 : memref<1x125xi32, #tpu.memory_space<vmem>> -> memref<125xi32, #tpu.memory_space<vmem>>
      %dma_start3A_62 = arith.constant 0 : i32
      %dma_start3A_63 = arith.constant 0 : i32
      %dma_start3A_64 = tpu.memref_slice %arg6[%dma_start3A_62, %dma_start3A_63] : memref<10000x8xf32, #tpu.memory_space<vmem_shared>> -> memref<10000x8xf32, #tpu.memory_space<vmem_shared>>
      tpu.enqueue_indirect_dma source(%arg7 : memref<125x8xf32, #tpu.memory_space<vmem>>) target(%dma_start3A_64 : memref<10000x8xf32, #tpu.memory_space<vmem_shared>>) offsets(%dma_start3A_61 : memref<125xi32, #tpu.memory_space<vmem>>) semaphore(%arg10 : memref<!tpu.dma_semaphore, #tpu.memory_space<semaphore_mem>>) {add = true}
      %mul3A_65 = arith.constant 4 : i32
      %mul3A_66 = arith.muli %mul3A_65, %scan3A_52 : i32
      %add3A_67 = arith.constant 1 : i32
      %add3A_68 = arith.addi %mul3A_66, %add3A_67 : i32
      %gt3A_69 = arith.constant 0 : i32
      %gt3A_70 = arith.cmpi sgt, %scan3A_52, %gt3A_69 : i32
      %convert_element_type3A_71 = arith.extui %gt3A_70 : i1 to i32
      %cond3A_72 = arith.constant 0 : i32
      %cond3A_73 = arith.cmpi ne, %convert_element_type3A_71, %cond3A_72 : i32
      scf.if %cond3A_73 {
        %sub3A = arith.constant 4 : i32
        %sub3A_110 = arith.subi %add3A_68, %sub3A : i32
        %dma_wait3A_111 = arith.constant 0 : i32
        %dma_wait3A_112 = tpu.memref_slice %arg8[%sub3A_110, %dma_wait3A_111] : memref<80x125xi32, #tpu.memory_space<vmem>> -> memref<1x125xi32, #tpu.memory_space<vmem>>
        %dma_wait3A_113 = tpu.memref_squeeze %dma_wait3A_112 : memref<1x125xi32, #tpu.memory_space<vmem>> -> memref<125xi32, #tpu.memory_space<vmem>>
        %dma_wait3A_114 = arith.constant 0 : i32
        %dma_wait3A_115 = arith.constant 0 : i32
        %dma_wait3A_116 = tpu.memref_slice %arg6[%dma_wait3A_114, %dma_wait3A_115] : memref<10000x8xf32, #tpu.memory_space<vmem_shared>> -> memref<10000x8xf32, #tpu.memory_space<vmem_shared>>
        tpu.wait_indirect_dma semaphore(%arg11 : memref<!tpu.dma_semaphore, #tpu.memory_space<semaphore_mem>>) src(%arg7 : memref<125x8xf32, #tpu.memory_space<vmem>>) dst(%dma_wait3A_116 : memref<10000x8xf32, #tpu.memory_space<vmem_shared>>)
      } else {
      }
      %dma_start3A_74 = arith.constant 0 : i32
      %dma_start3A_75 = tpu.memref_slice %arg8[%add3A_68, %dma_start3A_74] : memref<80x125xi32, #tpu.memory_space<vmem>> -> memref<1x125xi32, #tpu.memory_space<vmem>>
      %dma_start3A_76 = tpu.memref_squeeze %dma_start3A_75 : memref<1x125xi32, #tpu.memory_space<vmem>> -> memref<125xi32, #tpu.memory_space<vmem>>
      %dma_start3A_77 = arith.constant 0 : i32
      %dma_start3A_78 = arith.constant 0 : i32
      %dma_start3A_79 = tpu.memref_slice %arg6[%dma_start3A_77, %dma_start3A_78] : memref<10000x8xf32, #tpu.memory_space<vmem_shared>> -> memref<10000x8xf32, #tpu.memory_space<vmem_shared>>
      tpu.enqueue_indirect_dma source(%arg7 : memref<125x8xf32, #tpu.memory_space<vmem>>) target(%dma_start3A_79 : memref<10000x8xf32, #tpu.memory_space<vmem_shared>>) offsets(%dma_start3A_76 : memref<125xi32, #tpu.memory_space<vmem>>) semaphore(%arg11 : memref<!tpu.dma_semaphore, #tpu.memory_space<semaphore_mem>>) {add = true}
      %mul3A_80 = arith.constant 4 : i32
      %mul3A_81 = arith.muli %mul3A_80, %scan3A_52 : i32
      %add3A_82 = arith.constant 2 : i32
      %add3A_83 = arith.addi %mul3A_81, %add3A_82 : i32
      %gt3A_84 = arith.constant 0 : i32
      %gt3A_85 = arith.cmpi sgt, %scan3A_52, %gt3A_84 : i32
      %convert_element_type3A_86 = arith.extui %gt3A_85 : i1 to i32
      %cond3A_87 = arith.constant 0 : i32
      %cond3A_88 = arith.cmpi ne, %convert_element_type3A_86, %cond3A_87 : i32
      scf.if %cond3A_88 {
        %sub3A = arith.constant 4 : i32
        %sub3A_110 = arith.subi %add3A_83, %sub3A : i32
        %dma_wait3A_111 = arith.constant 0 : i32
        %dma_wait3A_112 = tpu.memref_slice %arg8[%sub3A_110, %dma_wait3A_111] : memref<80x125xi32, #tpu.memory_space<vmem>> -> memref<1x125xi32, #tpu.memory_space<vmem>>
        %dma_wait3A_113 = tpu.memref_squeeze %dma_wait3A_112 : memref<1x125xi32, #tpu.memory_space<vmem>> -> memref<125xi32, #tpu.memory_space<vmem>>
        %dma_wait3A_114 = arith.constant 0 : i32
        %dma_wait3A_115 = arith.constant 0 : i32
        %dma_wait3A_116 = tpu.memref_slice %arg6[%dma_wait3A_114, %dma_wait3A_115] : memref<10000x8xf32, #tpu.memory_space<vmem_shared>> -> memref<10000x8xf32, #tpu.memory_space<vmem_shared>>
        tpu.wait_indirect_dma semaphore(%arg12 : memref<!tpu.dma_semaphore, #tpu.memory_space<semaphore_mem>>) src(%arg7 : memref<125x8xf32, #tpu.memory_space<vmem>>) dst(%dma_wait3A_116 : memref<10000x8xf32, #tpu.memory_space<vmem_shared>>)
      } else {
      }
      %dma_start3A_89 = arith.constant 0 : i32
      %dma_start3A_90 = tpu.memref_slice %arg8[%add3A_83, %dma_start3A_89] : memref<80x125xi32, #tpu.memory_space<vmem>> -> memref<1x125xi32, #tpu.memory_space<vmem>>
      %dma_start3A_91 = tpu.memref_squeeze %dma_start3A_90 : memref<1x125xi32, #tpu.memory_space<vmem>> -> memref<125xi32, #tpu.memory_space<vmem>>
      %dma_start3A_92 = arith.constant 0 : i32
      %dma_start3A_93 = arith.constant 0 : i32
      %dma_start3A_94 = tpu.memref_slice %arg6[%dma_start3A_92, %dma_start3A_93] : memref<10000x8xf32, #tpu.memory_space<vmem_shared>> -> memref<10000x8xf32, #tpu.memory_space<vmem_shared>>
      tpu.enqueue_indirect_dma source(%arg7 : memref<125x8xf32, #tpu.memory_space<vmem>>) target(%dma_start3A_94 : memref<10000x8xf32, #tpu.memory_space<vmem_shared>>) offsets(%dma_start3A_91 : memref<125xi32, #tpu.memory_space<vmem>>) semaphore(%arg12 : memref<!tpu.dma_semaphore, #tpu.memory_space<semaphore_mem>>) {add = true}
      %mul3A_95 = arith.constant 4 : i32
      %mul3A_96 = arith.muli %mul3A_95, %scan3A_52 : i32
      %add3A_97 = arith.constant 3 : i32
      %add3A_98 = arith.addi %mul3A_96, %add3A_97 : i32
      %gt3A_99 = arith.constant 0 : i32
      %gt3A_100 = arith.cmpi sgt, %scan3A_52, %gt3A_99 : i32
      %convert_element_type3A_101 = arith.extui %gt3A_100 : i1 to i32
      %cond3A_102 = arith.constant 0 : i32
      %cond3A_103 = arith.cmpi ne, %convert_element_type3A_101, %cond3A_102 : i32
      scf.if %cond3A_103 {
        %sub3A = arith.constant 4 : i32
        %sub3A_110 = arith.subi %add3A_98, %sub3A : i32
        %dma_wait3A_111 = arith.constant 0 : i32
        %dma_wait3A_112 = tpu.memref_slice %arg8[%sub3A_110, %dma_wait3A_111] : memref<80x125xi32, #tpu.memory_space<vmem>> -> memref<1x125xi32, #tpu.memory_space<vmem>>
        %dma_wait3A_113 = tpu.memref_squeeze %dma_wait3A_112 : memref<1x125xi32, #tpu.memory_space<vmem>> -> memref<125xi32, #tpu.memory_space<vmem>>
        %dma_wait3A_114 = arith.constant 0 : i32
        %dma_wait3A_115 = arith.constant 0 : i32
        %dma_wait3A_116 = tpu.memref_slice %arg6[%dma_wait3A_114, %dma_wait3A_115] : memref<10000x8xf32, #tpu.memory_space<vmem_shared>> -> memref<10000x8xf32, #tpu.memory_space<vmem_shared>>
        tpu.wait_indirect_dma semaphore(%arg13 : memref<!tpu.dma_semaphore, #tpu.memory_space<semaphore_mem>>) src(%arg7 : memref<125x8xf32, #tpu.memory_space<vmem>>) dst(%dma_wait3A_116 : memref<10000x8xf32, #tpu.memory_space<vmem_shared>>)
      } else {
      }
      %dma_start3A_104 = arith.constant 0 : i32
      %dma_start3A_105 = tpu.memref_slice %arg8[%add3A_98, %dma_start3A_104] : memref<80x125xi32, #tpu.memory_space<vmem>> -> memref<1x125xi32, #tpu.memory_space<vmem>>
      %dma_start3A_106 = tpu.memref_squeeze %dma_start3A_105 : memref<1x125xi32, #tpu.memory_space<vmem>> -> memref<125xi32, #tpu.memory_space<vmem>>
      %dma_start3A_107 = arith.constant 0 : i32
      %dma_start3A_108 = arith.constant 0 : i32
      %dma_start3A_109 = tpu.memref_slice %arg6[%dma_start3A_107, %dma_start3A_108] : memref<10000x8xf32, #tpu.memory_space<vmem_shared>> -> memref<10000x8xf32, #tpu.memory_space<vmem_shared>>
      tpu.enqueue_indirect_dma source(%arg7 : memref<125x8xf32, #tpu.memory_space<vmem>>) target(%dma_start3A_109 : memref<10000x8xf32, #tpu.memory_space<vmem_shared>>) offsets(%dma_start3A_106 : memref<125xi32, #tpu.memory_space<vmem>>) semaphore(%arg13 : memref<!tpu.dma_semaphore, #tpu.memory_space<semaphore_mem>>) {add = true}
    }
    %scan3A_20 = arith.constant 20 : i32
    %dma_wait3A_21 = arith.constant 76 : i32
    %dma_wait3A_22 = arith.constant 0 : i32
    %dma_wait3A_23 = tpu.memref_slice %arg8[%dma_wait3A_21, %dma_wait3A_22] : memref<80x125xi32, #tpu.memory_space<vmem>> -> memref<1x125xi32, #tpu.memory_space<vmem>>
    %dma_wait3A_24 = tpu.memref_squeeze %dma_wait3A_23 : memref<1x125xi32, #tpu.memory_space<vmem>> -> memref<125xi32, #tpu.memory_space<vmem>>
    %dma_wait3A_25 = arith.constant 0 : i32
    %dma_wait3A_26 = arith.constant 0 : i32
    %dma_wait3A_27 = tpu.memref_slice %arg6[%dma_wait3A_25, %dma_wait3A_26] : memref<10000x8xf32, #tpu.memory_space<vmem_shared>> -> memref<10000x8xf32, #tpu.memory_space<vmem_shared>>
    tpu.wait_indirect_dma semaphore(%arg10 : memref<!tpu.dma_semaphore, #tpu.memory_space<semaphore_mem>>) src(%arg7 : memref<125x8xf32, #tpu.memory_space<vmem>>) dst(%dma_wait3A_27 : memref<10000x8xf32, #tpu.memory_space<vmem_shared>>)
    %dma_wait3A_28 = arith.constant 77 : i32
    %dma_wait3A_29 = arith.constant 0 : i32
    %dma_wait3A_30 = tpu.memref_slice %arg8[%dma_wait3A_28, %dma_wait3A_29] : memref<80x125xi32, #tpu.memory_space<vmem>> -> memref<1x125xi32, #tpu.memory_space<vmem>>
    %dma_wait3A_31 = tpu.memref_squeeze %dma_wait3A_30 : memref<1x125xi32, #tpu.memory_space<vmem>> -> memref<125xi32, #tpu.memory_space<vmem>>
    %dma_wait3A_32 = arith.constant 0 : i32
    %dma_wait3A_33 = arith.constant 0 : i32
    %dma_wait3A_34 = tpu.memref_slice %arg6[%dma_wait3A_32, %dma_wait3A_33] : memref<10000x8xf32, #tpu.memory_space<vmem_shared>> -> memref<10000x8xf32, #tpu.memory_space<vmem_shared>>
    tpu.wait_indirect_dma semaphore(%arg11 : memref<!tpu.dma_semaphore, #tpu.memory_space<semaphore_mem>>) src(%arg7 : memref<125x8xf32, #tpu.memory_space<vmem>>) dst(%dma_wait3A_34 : memref<10000x8xf32, #tpu.memory_space<vmem_shared>>)
    %dma_wait3A_35 = arith.constant 78 : i32
    %dma_wait3A_36 = arith.constant 0 : i32
    %dma_wait3A_37 = tpu.memref_slice %arg8[%dma_wait3A_35, %dma_wait3A_36] : memref<80x125xi32, #tpu.memory_space<vmem>> -> memref<1x125xi32, #tpu.memory_space<vmem>>
    %dma_wait3A_38 = tpu.memref_squeeze %dma_wait3A_37 : memref<1x125xi32, #tpu.memory_space<vmem>> -> memref<125xi32, #tpu.memory_space<vmem>>
    %dma_wait3A_39 = arith.constant 0 : i32
    %dma_wait3A_40 = arith.constant 0 : i32
    %dma_wait3A_41 = tpu.memref_slice %arg6[%dma_wait3A_39, %dma_wait3A_40] : memref<10000x8xf32, #tpu.memory_space<vmem_shared>> -> memref<10000x8xf32, #tpu.memory_space<vmem_shared>>
    tpu.wait_indirect_dma semaphore(%arg12 : memref<!tpu.dma_semaphore, #tpu.memory_space<semaphore_mem>>) src(%arg7 : memref<125x8xf32, #tpu.memory_space<vmem>>) dst(%dma_wait3A_41 : memref<10000x8xf32, #tpu.memory_space<vmem_shared>>)
    %dma_wait3A_42 = arith.constant 79 : i32
    %dma_wait3A_43 = arith.constant 0 : i32
    %dma_wait3A_44 = tpu.memref_slice %arg8[%dma_wait3A_42, %dma_wait3A_43] : memref<80x125xi32, #tpu.memory_space<vmem>> -> memref<1x125xi32, #tpu.memory_space<vmem>>
    %dma_wait3A_45 = tpu.memref_squeeze %dma_wait3A_44 : memref<1x125xi32, #tpu.memory_space<vmem>> -> memref<125xi32, #tpu.memory_space<vmem>>
    %dma_wait3A_46 = arith.constant 0 : i32
    %dma_wait3A_47 = arith.constant 0 : i32
    %dma_wait3A_48 = tpu.memref_slice %arg6[%dma_wait3A_46, %dma_wait3A_47] : memref<10000x8xf32, #tpu.memory_space<vmem_shared>> -> memref<10000x8xf32, #tpu.memory_space<vmem_shared>>
    tpu.wait_indirect_dma semaphore(%arg13 : memref<!tpu.dma_semaphore, #tpu.memory_space<semaphore_mem>>) src(%arg7 : memref<125x8xf32, #tpu.memory_space<vmem>>) dst(%dma_wait3A_48 : memref<10000x8xf32, #tpu.memory_space<vmem_shared>>)
    %barrier3A_49 = arith.constant 0 : index
    tpu.barrier barrier_id(%barrier3A_49)
    %mul3A_50 = arith.constant 625 : i32
    %mul3A_51 = arith.muli %arg1, %mul3A_50 : i32
    "tpu.region"() ({
      %run_scoped3A = tpu.sem_alloc : memref<!tpu.dma_semaphore, #tpu.memory_space<semaphore_mem>>
      %dma_start3A_52 = arith.constant 0 : i32
      %dma_start3A_53 = tpu.memref_slice %arg5[%arg0, %mul3A_51, %dma_start3A_52] : memref<2x10000x8xf32, #tpu.memory_space<hbm>> -> memref<1x625x8xf32, #tpu.memory_space<hbm>>
      %dma_start3A_54 = tpu.memref_squeeze %dma_start3A_53 : memref<1x625x8xf32, #tpu.memory_space<hbm>> -> memref<625x8xf32, #tpu.memory_space<hbm>>
      %dma_start3A_55 = arith.constant 0 : i32
      %dma_start3A_56 = tpu.memref_slice %arg6[%mul3A_51, %dma_start3A_55] : memref<10000x8xf32, #tpu.memory_space<vmem_shared>> -> memref<625x8xf32, #tpu.memory_space<vmem_shared>>
      tpu.enqueue_dma source(%dma_start3A_56 : memref<625x8xf32, #tpu.memory_space<vmem_shared>>) target(%dma_start3A_54 : memref<625x8xf32, #tpu.memory_space<hbm>>) target_semaphore(%run_scoped3A : memref<!tpu.dma_semaphore, #tpu.memory_space<semaphore_mem>>)
      %dma_wait3A_57 = arith.constant 0 : i32
      %dma_wait3A_58 = tpu.memref_slice %arg5[%arg0, %mul3A_51, %dma_wait3A_57] : memref<2x10000x8xf32, #tpu.memory_space<hbm>> -> memref<1x625x8xf32, #tpu.memory_space<hbm>>
      %dma_wait3A_59 = tpu.memref_squeeze %dma_wait3A_58 : memref<1x625x8xf32, #tpu.memory_space<hbm>> -> memref<625x8xf32, #tpu.memory_space<hbm>>
      %dma_wait3A_60 = arith.constant 0 : i32
      %dma_wait3A_61 = tpu.memref_slice %arg6[%mul3A_51, %dma_wait3A_60] : memref<10000x8xf32, #tpu.memory_space<vmem_shared>> -> memref<625x8xf32, #tpu.memory_space<vmem_shared>>
      tpu.wait_dma2 semaphore(%run_scoped3A : memref<!tpu.dma_semaphore, #tpu.memory_space<semaphore_mem>>) src(%dma_wait3A_61 : memref<625x8xf32, #tpu.memory_space<vmem_shared>>) dst(%dma_wait3A_59 : memref<625x8xf32, #tpu.memory_space<hbm>>)
      tpu.yield
    }) : () -> ()
    return
  }
}

module attributes {stable_mosaic.version = 14 : i64} {
  func.func @_tc1_body(%arg0: i32, %arg1: memref<5000x128xf32, #tpu.memory_space<vmem>>, %arg2: memref<128x16xf32, #tpu.memory_space<vmem>>, %arg3: memref<2x5000x8xf32, #tpu.memory_space<vmem>>, %arg4: memref<5000x16xf32, #tpu.memory_space<vmem>>, %arg5: memref<5000x16xf32, #tpu.memory_space<vmem>>) attributes {dimension_semantics = [#tpu.dimension_semantics<arbitrary>], iteration_bounds = array<i64: 2>, scalar_prefetch = 0 : i64, scratch_operands = 0 : i64, tpu.core_type = #tpu.core_type<tc>, window_params = [{transform_indices = @transform_0, window_bounds = array<i64: 5000, 128>}, {pipeline_mode = #tpu.pipeline_mode<synchronous>, transform_indices = @transform_1, window_bounds = array<i64: 128, 16>}, {transform_indices = @transform_2, window_bounds = array<i64: 2, 5000, 8>}, {transform_indices = @transform_3, window_bounds = array<i64: 5000, 16>}, {transform_indices = @transform_4, window_bounds = array<i64: 5000, 16>}]} {
    %get3A = arith.constant 0 : index
    %get3A_0 = arith.constant 0 : index
    %get3A_1 = arith.constant 0 : index
    %get3A_2 = vector.load %arg3[%get3A, %get3A_0, %get3A_1] : memref<2x5000x8xf32, #tpu.memory_space<vmem>>, vector<1x5000x1xf32>
    %get3A_3 = vector.shape_cast %get3A_2 : vector<1x5000x1xf32> to vector<5000xf32>
    %get3A_4 = arith.constant 1 : index
    %get3A_5 = arith.constant 0 : index
    %get3A_6 = arith.constant 0 : index
    %get3A_7 = vector.load %arg3[%get3A_4, %get3A_5, %get3A_6] : memref<2x5000x8xf32, #tpu.memory_space<vmem>>, vector<1x5000x1xf32>
    %get3A_8 = vector.shape_cast %get3A_7 : vector<1x5000x1xf32> to vector<5000xf32>
    %add3A = arith.addf %get3A_3, %get3A_8 : vector<5000xf32>
    %add3A_9 = arith.constant 1.000000e+00 : f32
    %add3A_10 = vector.broadcast %add3A_9 : f32 to vector<5000xf32>
    %add3A_11 = arith.addf %add3A, %add3A_10 : vector<5000xf32>
    %rsqrt3A = math.rsqrt %add3A_11 : vector<5000xf32>
    %get3A_12 = arith.constant 0 : index
    %get3A_13 = arith.constant 0 : index
    %get3A_14 = vector.load %arg1[%get3A_12, %get3A_13] : memref<5000x128xf32, #tpu.memory_space<vmem>>, vector<5000x128xf32>
    %get3A_15 = arith.constant 0 : index
    %get3A_16 = arith.constant 0 : index
    %get3A_17 = vector.load %arg2[%get3A_15, %get3A_16] : memref<128x16xf32, #tpu.memory_space<vmem>>, vector<128x16xf32>
    %dot_general3A = arith.constant dense<0.000000e+00> : vector<5000x16xf32>
    %dot_general3A_18 = tpu.matmul %get3A_14, %get3A_17, %dot_general3A {dimension_numbers = #tpu.dot_dimension_numbers<[1], [0], [0], [1], [0, 0, 1, 1], [], []>, transpose_lhs_hint = false} : vector<5000x128xf32>, vector<128x16xf32>, vector<5000x16xf32> -> vector<5000x16xf32>
    %broadcast_in_dim3A = vector.shape_cast %rsqrt3A : vector<5000xf32> to vector<5000x1xf32>
    %broadcast_in_dim3A_19 = vector.shape_cast %broadcast_in_dim3A : vector<5000x1xf32> to vector<5000x1xf32>
    %broadcast_in_dim3A_20 = vector.broadcast %broadcast_in_dim3A_19 : vector<5000x1xf32> to vector<5000x16xf32>
    %mul3A = arith.mulf %dot_general3A_18, %broadcast_in_dim3A_20 : vector<5000x16xf32>
    %swap3A = arith.constant 0 : index
    %swap3A_21 = arith.constant 0 : index
    %swap3A_22 = vector.load %arg4[%swap3A, %swap3A_21] : memref<5000x16xf32, #tpu.memory_space<vmem>>, vector<5000x16xf32>
    tpu.vector_store %arg4[%swap3A, %swap3A_21], %mul3A {strides = array<i32>} : memref<5000x16xf32, #tpu.memory_space<vmem>>, vector<5000x16xf32>,
    %swap3A_23 = arith.constant 0 : index
    %swap3A_24 = arith.constant 0 : index
    %swap3A_25 = vector.load %arg5[%swap3A_23, %swap3A_24] : memref<5000x16xf32, #tpu.memory_space<vmem>>, vector<5000x16xf32>
    tpu.vector_store %arg5[%swap3A_23, %swap3A_24], %broadcast_in_dim3A_20 {strides = array<i32>} : memref<5000x16xf32, #tpu.memory_space<vmem>>, vector<5000x16xf32>,
    return
  }
  func.func @transform_0(%arg0: i32) -> (i32, i32) {
    %c0_i32 = arith.constant 0 : i32
    %c0_i32_0 = arith.constant 0 : i32
    return %arg0, %c0_i32 : i32, i32
  }
  func.func @transform_1(%arg0: i32) -> (i32, i32) {
    %c0_i32 = arith.constant 0 : i32
    %c0_i32_0 = arith.constant 0 : i32
    %c0_i32_1 = arith.constant 0 : i32
    return %c0_i32, %c0_i32_0 : i32, i32
  }
  func.func @transform_2(%arg0: i32) -> (i32, i32, i32) {
    %c0_i32 = arith.constant 0 : i32
    %c0_i32_0 = arith.constant 0 : i32
    %c0_i32_1 = arith.constant 0 : i32
    return %c0_i32, %arg0, %c0_i32_0 : i32, i32, i32
  }
  func.func @transform_3(%arg0: i32) -> (i32, i32) {
    %c0_i32 = arith.constant 0 : i32
    %c0_i32_0 = arith.constant 0 : i32
    return %arg0, %c0_i32 : i32, i32
  }
  func.func @transform_4(%arg0: i32) -> (i32, i32) {
    %c0_i32 = arith.constant 0 : i32
    %c0_i32_0 = arith.constant 0 : i32
    return %arg0, %c0_i32 : i32, i32
  }
}

module attributes {stable_mosaic.version = 14 : i64} {
  func.func @_tc2_body(%arg0: i32, %arg1: memref<2x5000x16xf32, #tpu.memory_space<vmem>>, %arg2: memref<5000x16xf32, #tpu.memory_space<vmem>>, %arg3: memref<5000x16xf32, #tpu.memory_space<vmem>>, %arg4: memref<1x16xf32, #tpu.memory_space<vmem>>, %arg5: memref<16x8xf32, #tpu.memory_space<vmem>>, %arg6: memref<5000x8xf32, #tpu.memory_space<vmem>>) attributes {dimension_semantics = [#tpu.dimension_semantics<arbitrary>], iteration_bounds = array<i64: 2>, scalar_prefetch = 0 : i64, scratch_operands = 0 : i64, tpu.core_type = #tpu.core_type<tc>, window_params = [{transform_indices = @transform_0, window_bounds = array<i64: 2, 5000, 16>}, {transform_indices = @transform_1, window_bounds = array<i64: 5000, 16>}, {transform_indices = @transform_2, window_bounds = array<i64: 5000, 16>}, {pipeline_mode = #tpu.pipeline_mode<synchronous>, transform_indices = @transform_3, window_bounds = array<i64: 1, 16>}, {pipeline_mode = #tpu.pipeline_mode<synchronous>, transform_indices = @transform_4, window_bounds = array<i64: 16, 8>}, {transform_indices = @transform_5, window_bounds = array<i64: 5000, 8>}]} {
    %get3A = arith.constant 0 : index
    %get3A_0 = arith.constant 0 : index
    %get3A_1 = vector.load %arg3[%get3A, %get3A_0] : memref<5000x16xf32, #tpu.memory_space<vmem>>, vector<5000x16xf32>
    %get3A_2 = arith.constant 0 : index
    %get3A_3 = arith.constant 0 : index
    %get3A_4 = arith.constant 0 : index
    %get3A_5 = vector.load %arg1[%get3A_2, %get3A_3, %get3A_4] : memref<2x5000x16xf32, #tpu.memory_space<vmem>>, vector<1x5000x16xf32>
    %get3A_6 = vector.shape_cast %get3A_5 : vector<1x5000x16xf32> to vector<5000x16xf32>
    %get3A_7 = arith.constant 1 : index
    %get3A_8 = arith.constant 0 : index
    %get3A_9 = arith.constant 0 : index
    %get3A_10 = vector.load %arg1[%get3A_7, %get3A_8, %get3A_9] : memref<2x5000x16xf32, #tpu.memory_space<vmem>>, vector<1x5000x16xf32>
    %get3A_11 = vector.shape_cast %get3A_10 : vector<1x5000x16xf32> to vector<5000x16xf32>
    %add3A = arith.addf %get3A_6, %get3A_11 : vector<5000x16xf32>
    %get3A_12 = arith.constant 0 : index
    %get3A_13 = arith.constant 0 : index
    %get3A_14 = vector.load %arg2[%get3A_12, %get3A_13] : memref<5000x16xf32, #tpu.memory_space<vmem>>, vector<5000x16xf32>
    %add3A_15 = arith.addf %add3A, %get3A_14 : vector<5000x16xf32>
    %mul3A = arith.mulf %get3A_1, %add3A_15 : vector<5000x16xf32>
    %get3A_16 = arith.constant 0 : index
    %get3A_17 = arith.constant 0 : index
    %get3A_18 = vector.load %arg4[%get3A_16, %get3A_17] : memref<1x16xf32, #tpu.memory_space<vmem>>, vector<1x16xf32>
    %add3A_19 = vector.broadcast %get3A_18 : vector<1x16xf32> to vector<5000x16xf32>
    %add3A_20 = arith.addf %mul3A, %add3A_19 : vector<5000x16xf32>
    %max3A = arith.constant 0.000000e+00 : f32
    %max3A_21 = vector.broadcast %max3A : f32 to vector<5000x16xf32>
    %max3A_22 = arith.maximumf %add3A_20, %max3A_21 : vector<5000x16xf32>
    %get3A_23 = arith.constant 0 : index
    %get3A_24 = arith.constant 0 : index
    %get3A_25 = vector.load %arg5[%get3A_23, %get3A_24] : memref<16x8xf32, #tpu.memory_space<vmem>>, vector<16x8xf32>
    %dot_general3A = arith.constant dense<0.000000e+00> : vector<5000x8xf32>
    %dot_general3A_26 = tpu.matmul %max3A_22, %get3A_25, %dot_general3A {dimension_numbers = #tpu.dot_dimension_numbers<[1], [0], [0], [1], [0, 0, 1, 1], [], []>, transpose_lhs_hint = false} : vector<5000x16xf32>, vector<16x8xf32>, vector<5000x8xf32> -> vector<5000x8xf32>
    %slice3A = vector.extract_strided_slice %get3A_1 {offsets = [0, 0], sizes = [5000, 8], strides = [1, 1]} : vector<5000x16xf32> to vector<5000x8xf32>
    %mul3A_27 = arith.mulf %dot_general3A_26, %slice3A : vector<5000x8xf32>
    %swap3A = arith.constant 0 : index
    %swap3A_28 = arith.constant 0 : index
    %swap3A_29 = vector.load %arg6[%swap3A, %swap3A_28] : memref<5000x8xf32, #tpu.memory_space<vmem>>, vector<5000x8xf32>
    tpu.vector_store %arg6[%swap3A, %swap3A_28], %mul3A_27 {strides = array<i32>} : memref<5000x8xf32, #tpu.memory_space<vmem>>, vector<5000x8xf32>,
    return
  }
  func.func @transform_0(%arg0: i32) -> (i32, i32, i32) {
    %c0_i32 = arith.constant 0 : i32
    %c0_i32_0 = arith.constant 0 : i32
    %c0_i32_1 = arith.constant 0 : i32
    return %c0_i32, %arg0, %c0_i32_0 : i32, i32, i32
  }
  func.func @transform_1(%arg0: i32) -> (i32, i32) {
    %c0_i32 = arith.constant 0 : i32
    %c0_i32_0 = arith.constant 0 : i32
    return %arg0, %c0_i32 : i32, i32
  }
  func.func @transform_2(%arg0: i32) -> (i32, i32) {
    %c0_i32 = arith.constant 0 : i32
    %c0_i32_0 = arith.constant 0 : i32
    return %arg0, %c0_i32 : i32, i32
  }
  func.func @transform_3(%arg0: i32) -> (i32, i32) {
    %c0_i32 = arith.constant 0 : i32
    %c0_i32_0 = arith.constant 0 : i32
    %c0_i32_1 = arith.constant 0 : i32
    return %c0_i32, %c0_i32_0 : i32, i32
  }
  func.func @transform_4(%arg0: i32) -> (i32, i32) {
    %c0_i32 = arith.constant 0 : i32
    %c0_i32_0 = arith.constant 0 : i32
    %c0_i32_1 = arith.constant 0 : i32
    return %c0_i32, %c0_i32_0 : i32, i32
  }
  func.func @transform_5(%arg0: i32) -> (i32, i32) {
    %c0_i32 = arith.constant 0 : i32
    %c0_i32_0 = arith.constant 0 : i32
    return %arg0, %c0_i32 : i32, i32
  }
}

module attributes {stable_mosaic.version = 14 : i64} {
  func.func @_tc3_body(%arg0: i32, %arg1: memref<2x5000x8xf32, #tpu.memory_space<vmem>>, %arg2: memref<5000x8xf32, #tpu.memory_space<vmem>>, %arg3: memref<5000x16xf32, #tpu.memory_space<vmem>>, %arg4: memref<1x8xf32, #tpu.memory_space<vmem>>, %arg5: memref<5000x7xf32, #tpu.memory_space<vmem>>) attributes {dimension_semantics = [#tpu.dimension_semantics<arbitrary>], iteration_bounds = array<i64: 2>, scalar_prefetch = 0 : i64, scratch_operands = 0 : i64, tpu.core_type = #tpu.core_type<tc>, window_params = [{transform_indices = @transform_0, window_bounds = array<i64: 2, 5000, 8>}, {transform_indices = @transform_1, window_bounds = array<i64: 5000, 8>}, {transform_indices = @transform_2, window_bounds = array<i64: 5000, 16>}, {pipeline_mode = #tpu.pipeline_mode<synchronous>, transform_indices = @transform_3, window_bounds = array<i64: 1, 8>}, {transform_indices = @transform_4, window_bounds = array<i64: 5000, 7>}]} {
    %get3A = arith.constant 0 : index
    %get3A_0 = arith.constant 0 : index
    %get3A_1 = vector.load %arg3[%get3A, %get3A_0] : memref<5000x16xf32, #tpu.memory_space<vmem>>, vector<5000x8xf32>
    %get3A_2 = arith.constant 0 : index
    %get3A_3 = arith.constant 0 : index
    %get3A_4 = arith.constant 0 : index
    %get3A_5 = vector.load %arg1[%get3A_2, %get3A_3, %get3A_4] : memref<2x5000x8xf32, #tpu.memory_space<vmem>>, vector<1x5000x8xf32>
    %get3A_6 = vector.shape_cast %get3A_5 : vector<1x5000x8xf32> to vector<5000x8xf32>
    %get3A_7 = arith.constant 1 : index
    %get3A_8 = arith.constant 0 : index
    %get3A_9 = arith.constant 0 : index
    %get3A_10 = vector.load %arg1[%get3A_7, %get3A_8, %get3A_9] : memref<2x5000x8xf32, #tpu.memory_space<vmem>>, vector<1x5000x8xf32>
    %get3A_11 = vector.shape_cast %get3A_10 : vector<1x5000x8xf32> to vector<5000x8xf32>
    %add3A = arith.addf %get3A_6, %get3A_11 : vector<5000x8xf32>
    %get3A_12 = arith.constant 0 : index
    %get3A_13 = arith.constant 0 : index
    %get3A_14 = vector.load %arg2[%get3A_12, %get3A_13] : memref<5000x8xf32, #tpu.memory_space<vmem>>, vector<5000x8xf32>
    %add3A_15 = arith.addf %add3A, %get3A_14 : vector<5000x8xf32>
    %mul3A = arith.mulf %get3A_1, %add3A_15 : vector<5000x8xf32>
    %get3A_16 = arith.constant 0 : index
    %get3A_17 = arith.constant 0 : index
    %get3A_18 = vector.load %arg4[%get3A_16, %get3A_17] : memref<1x8xf32, #tpu.memory_space<vmem>>, vector<1x8xf32>
    %add3A_19 = vector.broadcast %get3A_18 : vector<1x8xf32> to vector<5000x8xf32>
    %add3A_20 = arith.addf %mul3A, %add3A_19 : vector<5000x8xf32>
    %iota3A = tpu.iota {dimensions = array<i32: 1>} : vector<5000x8xi32>
    %lt3A = arith.constant 7 : i32
    %lt3A_21 = vector.broadcast %lt3A : i32 to vector<5000x8xi32>
    %lt3A_22 = arith.cmpi slt, %iota3A, %lt3A_21 : vector<5000x8xi32>
    %jit3A = arith.constant 0xFF800000 : f32
    %broadcast_in_dim3A = vector.broadcast %jit3A : f32 to vector<5000x8xf32>
    %select_n3A = arith.select %lt3A_22, %add3A_20, %broadcast_in_dim3A : vector<5000x8xi1>, vector<5000x8xf32>
    %reduce_max3A = arith.constant dense<0xFF800000> : vector<5000xf32>
    %reduce_max3A_23 = vector.multi_reduction <maximumf>, %select_n3A, %reduce_max3A [1] : vector<5000x8xf32> to vector<5000xf32>
    %broadcast_in_dim3A_24 = vector.shape_cast %reduce_max3A_23 : vector<5000xf32> to vector<5000x1xf32>
    %sub3A = vector.broadcast %broadcast_in_dim3A_24 : vector<5000x1xf32> to vector<5000x8xf32>
    %sub3A_25 = arith.subf %select_n3A, %sub3A : vector<5000x8xf32>
    %exp3A = math.exp %sub3A_25 : vector<5000x8xf32>
    %jit3A_26 = arith.constant 0.000000e+00 : f32
    %broadcast_in_dim3A_27 = vector.broadcast %jit3A_26 : f32 to vector<5000x8xf32>
    %select_n3A_28 = arith.select %lt3A_22, %exp3A, %broadcast_in_dim3A_27 : vector<5000x8xi1>, vector<5000x8xf32>
    %reduce_sum3A = arith.constant dense<0.000000e+00> : vector<5000xf32>
    %reduce_sum3A_29 = vector.multi_reduction <add>, %select_n3A_28, %reduce_sum3A [1] : vector<5000x8xf32> to vector<5000xf32>
    %broadcast_in_dim3A_30 = vector.shape_cast %reduce_sum3A_29 : vector<5000xf32> to vector<5000x1xf32>
    %log3A = math.log %broadcast_in_dim3A_30 : vector<5000x1xf32>
    %sub3A_31 = vector.broadcast %broadcast_in_dim3A_24 : vector<5000x1xf32> to vector<5000x8xf32>
    %sub3A_32 = arith.subf %add3A_20, %sub3A_31 : vector<5000x8xf32>
    %sub3A_33 = vector.broadcast %log3A : vector<5000x1xf32> to vector<5000x8xf32>
    %sub3A_34 = arith.subf %sub3A_32, %sub3A_33 : vector<5000x8xf32>
    %slice3A = vector.extract_strided_slice %sub3A_34 {offsets = [0, 0], sizes = [5000, 7], strides = [1, 1]} : vector<5000x8xf32> to vector<5000x7xf32>
    %swap3A = arith.constant 0 : index
    %swap3A_35 = arith.constant 0 : index
    %swap3A_36 = vector.load %arg5[%swap3A, %swap3A_35] : memref<5000x7xf32, #tpu.memory_space<vmem>>, vector<5000x7xf32>
    tpu.vector_store %arg5[%swap3A, %swap3A_35], %slice3A {strides = array<i32>} : memref<5000x7xf32, #tpu.memory_space<vmem>>, vector<5000x7xf32>,
    return
  }
  func.func @transform_0(%arg0: i32) -> (i32, i32, i32) {
    %c0_i32 = arith.constant 0 : i32
    %c0_i32_0 = arith.constant 0 : i32
    %c0_i32_1 = arith.constant 0 : i32
    return %c0_i32, %arg0, %c0_i32_0 : i32, i32, i32
  }
  func.func @transform_1(%arg0: i32) -> (i32, i32) {
    %c0_i32 = arith.constant 0 : i32
    %c0_i32_0 = arith.constant 0 : i32
    return %arg0, %c0_i32 : i32, i32
  }
  func.func @transform_2(%arg0: i32) -> (i32, i32) {
    %c0_i32 = arith.constant 0 : i32
    %c0_i32_0 = arith.constant 0 : i32
    return %arg0, %c0_i32 : i32, i32
  }
  func.func @transform_3(%arg0: i32) -> (i32, i32) {
    %c0_i32 = arith.constant 0 : i32
    %c0_i32_0 = arith.constant 0 : i32
    %c0_i32_1 = arith.constant 0 : i32
    return %c0_i32, %c0_i32_0 : i32, i32
  }
  func.func @transform_4(%arg0: i32) -> (i32, i32) {
    %c0_i32 = arith.constant 0 : i32
    %c0_i32_0 = arith.constant 0 : i32
    return %arg0, %c0_i32 : i32, i32
  }
}

</mosaic_0001>

<sc_bundles>
// kernel: kernel.11.cloned.1.call-start
scs
__scs_entry_jumppad:
0x0: {  	(pc) =	sbr.rel $0x88, $3  }
0x1: {  	(tag) =	ssettag $0x0;
	lr =	simm.s32 $0x1  }
0x2: {  	[smem:$0x3F9B] =	sst lr;
	_ =	strace $0xD0000000  }
0x3: {  	_ = 	snop  }
0x4: {  	_ = 	snop  }
0x5: {  	_ = 	snop  }
0x6: {  	_ = 	snop  }
0x7: {  	_ = 	snop  }
__scs_overlays_trampoline_lowered:
0x8: {  	[smem:$0x3FAA] =	sst s0  }
0x9: {  	[smem:$0x3FAB] =	sst s1  }
0xa: {  	[smem:$0x3FAC] =	sst s2  }
0xb: {  	[smem:$0x3FAD] =	sst s3  }
0xc: {  	[smem:$0x3FAE] =	sst s4  }
0xd: {  	[smem:$0x3FAF] =	sst s5  }
0xe: {  	[smem:$0x3FB0] =	sst s6  }
0xf: {  	[smem:$0x3FB1] =	sst s7  }
0x10: {  	[smem:$0x3FB2] =	sst s8  }
0x11: {  	[smem:$0x3FB3] =	sst s9;
	s0 =	simm.s32 @!p0 $0x0  }
0x12: {  	s1 =	sld [smem:$0x3F99];
	s0 =	simm.s32 @p0 $0x1  }
0x13: {  	[smem:$0x3FB4] =	sst s0;
	s0 =	simm.s32 @!p1 $0x0  }
0x14: {  	s2 =	sld [smem:$0x3F98];
	s0 =	simm.s32 @p1 $0x1  }
0x15: {  	[smem:$0x3FB5] =	sst s0;
	s0 =	simm.s32 @!p2 $0x0  }
0x16: {  	s3 =	sld [smem:$0x3FDB];
	s0 =	simm.s32 @p2 $0x1  }
0x17: {  	s4 =	simm.s32 $0x1BF5;
	[smem:$0x3FB7] =	sst s0  }
0x18: {  	s0 =	sld [smem:$0x3F9A];
	_ =	swait.ge [sflag:s4], $0x0  }
0x19: {  	s7 =	sld [smem:$0x3F9B]  }
0x1a: {  	s8 =	sadd.s32 $0xFFFFE003, lr  }
0x1b: {  	s9 =	sadd.s32 $0xFFFFFEF7, lr;
	s5 =	simm.s32 $0xFFFFFFFF;
	p2 =	slt.u32 s8, $0xFFFFF086  }
0x1c: {  	p1 =	slt.u32 s9, $0xF7A;
	s5 =	simm.s32 @!p2 $0x0  }
0x1d: {  	s5 =	simm.s32 @p1 $0x1;
	p0 =	seq.s32 s7, s2  }
0x1e: {  	s7 =	smul.u32 @!p0 $0xF7A, s2;
	p2 =	seq.s32 @!p0 s5, $0x0  }
0x1f: {  	s9 =	smul.u32 $0xF7A, s1;
	s8 =	simm.s32 @!p0 $0x1BF5;
	p2 =	por !p2, p0  }
0x20: {  	[sflag:s8] =	ssyncset.s32 @!p0 $0xFFFFF086;
	s6 =	sadd.s32 @!p0 s3, s7;
	s7 =	simm.s32 @!p0 $0x108  }
0x21: {  	s3 =	sadd.s32 s3, s9;
	s6 =	sadd.s32 @!p0 $0x88, s6;
	s7 =	simm.s32 @p2 $0x1082  }
0x22: {  	[simem:s7], [sflag:s8] =	dma.local @!p0 [hbm:s6], $0xF7A  }
0x23: {  	s9 =	sor.u32 $0xD0000000, s2;
	s6 =	simm.s32 $0x108;
	_ =	swait.ge @!p0 [sflag:s8], $0x0  }
0x24: {  	s3 =	sadd.s32 $0x88, s3;
	s6 =	simm.s32 @!p1 $0x1082;
	[sflag:s4] =	ssyncset.s32 $0xFFFFF086  }
0x25: {  	[simem:s6], [sflag:s4] =	dma.local [hbm:s3], $0xF7A  }
0x26: {  	[smem:$0x3F9B] =	sst s1;
	(tag) =	ssettag s2;
	_ =	strace s9  }
0x27: {  	s1 =	sld [smem:$0x3FAB]  }
0x28: {  	s2 =	sld [smem:$0x3FAC]  }
0x29: {  	s4 =	sld [smem:$0x3FAE]  }
0x2a: {  	p0 =	seq.s32 s5, $0x0;
	s5 =	sld [smem:$0x3FAF]  }
0x2b: {  	s6 =	sld [smem:$0x3FB0]  }
0x2c: {  	s7 =	sld [smem:$0x3FB1]  }
0x2d: {  	s3 =	simm.s32 $0x108;
	s8 =	sld [smem:$0x3FB2]  }
0x2e: {  	s3 =	simm.s32 @!p0 $0x1082;
	s9 =	sld [smem:$0x3FB3]  }
0x2f: {  	lr =	sadd.s32 s0, s3;
	s0 =	sld [smem:$0x3FAA]  }
0x30: {  	s3 =	sld [smem:$0x3FAD]  }
0x31: {  	[smem:$0x3FB6] =	sst s10  }
0x32: {  	s10 =	sld [smem:$0x3FB4];
	_ =	sdelay $0x3  }
0x33: {  	p0 =	seq.s32 s10, $0x1;
	s10 =	sld [smem:$0x3FB6];
	_ =	sdelay $0x3  }
0x34: {  	[smem:$0x3FB6] =	sst s10  }
0x35: {  	s10 =	sld [smem:$0x3FB5];
	_ =	sdelay $0x3  }
0x36: {  	p1 =	seq.s32 s10, $0x1;
	s10 =	sld [smem:$0x3FB6];
	_ =	sdelay $0x3  }
0x37: {  	[smem:$0x3FB6] =	sst s10  }
0x38: {  	s10 =	sld [smem:$0x3FB7]  }
0x39: {  	_ = 	snop;
	(pc) =	sbr.ind lr, $3  }
0x3a: {  	_ = 	snop  }
0x3b: {  	_ = 	snop  }
0x3c: {  	p2 =	seq.s32 s10, $0x1;
	s10 =	sld [smem:$0x3FB6]  }
0x3d: {  	_ =	shalt  }
0x3e: {  	_ =	shalt  }
0x3f: {  	_ =	shalt  }
0x40: {  	_ =	shalt  }
0x41: {  	_ =	shalt  }
0x42: {  	_ =	shalt  }
0x43: {  	_ =	shalt  }
0x44: {  	_ =	shalt  }
0x45: {  	_ =	shalt  }
0x46: {  	_ =	shalt  }
0x47: {  	_ =	shalt  }
0x48: {  	_ =	shalt  }
0x49: {  	_ =	shalt  }
0x4a: {  	_ =	shalt  }
0x4b: {  	_ =	shalt  }
0x4c: {  	_ =	shalt  }
0x4d: {  	_ =	shalt  }
0x4e: {  	_ =	shalt  }
0x4f: {  	_ =	shalt  }
0x50: {  	_ =	shalt  }
0x51: {  	_ =	shalt  }
0x52: {  	_ =	shalt  }
0x53: {  	_ =	shalt  }
0x54: {  	_ =	shalt  }
0x55: {  	_ =	shalt  }
0x56: {  	_ =	shalt  }
0x57: {  	_ =	shalt  }
0x58: {  	_ =	shalt  }
0x59: {  	_ =	shalt  }
0x5a: {  	_ =	shalt  }
0x5b: {  	_ =	shalt  }
0x5c: {  	_ =	shalt  }
0x5d: {  	_ =	shalt  }
0x5e: {  	_ =	shalt  }
0x5f: {  	_ =	shalt  }
0x60: {  	_ =	shalt  }
0x61: {  	_ =	shalt  }
0x62: {  	_ =	shalt  }
0x63: {  	_ =	shalt  }
0x64: {  	_ =	shalt  }
0x65: {  	_ =	shalt  }
0x66: {  	_ =	shalt  }
0x67: {  	_ =	shalt  }
0x68: {  	_ =	shalt  }
0x69: {  	_ =	shalt  }
0x6a: {  	_ =	shalt  }
0x6b: {  	_ =	shalt  }
0x6c: {  	_ =	shalt  }
0x6d: {  	_ =	shalt  }
0x6e: {  	_ =	shalt  }
0x6f: {  	_ =	shalt  }
0x70: {  	_ =	shalt  }
0x71: {  	_ =	shalt  }
0x72: {  	_ =	shalt  }
0x73: {  	_ =	shalt  }
0x74: {  	_ =	shalt  }
0x75: {  	_ =	shalt  }
0x76: {  	_ =	shalt  }
0x77: {  	_ =	shalt  }
0x78: {  	_ =	shalt  }
0x79: {  	_ =	shalt  }
0x7a: {  	_ =	shalt  }
0x7b: {  	_ =	shalt  }
0x7c: {  	_ =	shalt  }
0x7d: {  	_ =	shalt  }
0x7e: {  	_ =	shalt  }
0x7f: {  	_ =	shalt  }
0x80: {  	_ =	shalt  }
0x81: {  	_ =	shalt  }
0x82: {  	_ =	shalt  }
0x83: {  	_ =	shalt  }
0x84: {  	_ =	shalt  }
0x85: {  	_ =	shalt  }
0x86: {  	_ =	shalt  }
0x87: {  	_ =	shalt  }
.Lfunc_end0:
.L_simem_size_0:
called_computation.1_lowered:
.L_overlay_start_0:
0x88: {  	s2 =	sld [smem:$0x3FD9]  }
0x89: {  	s3 =	sld [smem:$0x3FFE];
	_ =	sdelay $0x1  }
0x8a: {  	s1 =	srdreg.scid  }
0x8b: {  	s0 =	sand.u32 $0x1, s1  }
0x8c: {  	s16 =	sshll.u32 s0, $0xA;
	s2 =	sadd.s32 s3, s2  }
0x8d: {  	s2 =	sadd.s32 s2, s16  }
0x8e: {  	[smem:$0x3FC2] =	sst s2  }
0x8f: {  	_ = 	snop  }
0x90: {  	(tm) =	ssettm $0x1  }
0x91: {  	s17 =	sld [smem:$0x3FFB];
	_ =	sdelay $0x3  }
0x92: {  	_ =	strace s17  }
0x93: {  	s2 =	sld [smem:$0x3FFC];
	_ =	sdelay $0x3  }
0x94: {  	_ =	strace s2  }
0x95: {  	s2 =	sld [smem:$0x3FFD];
	_ =	sdelay $0x3  }
0x96: {  	_ =	strace s2  }
0x97: {  	_ =	strace $0x8FFFFFFF  }
0x98: {  	s18 =	sld [smem:$0x3FDB];
	_ =	sdelay $0x1  }
0x99: {  	s19 =	simm.s32 $_scs_section_size  }
0x9a: {  	s4 =	simm.s32 $_size__tile_overlayer_lowered;
	s5 =	simm.s32 $_tile_overlayer_lowered  }
0x9b: {  	s22 =	simm.s32 $0x1BFF;
	s21 =	sshll.u32 s5, $0x1;
	s2 =	sadd.s32 s19, s18  }
0x9c: {  	s6 =	simm.s32 $0x0;
	s20 =	sshll.u32 s4, $0x1;
	s4 =	sadd.s32 s21, s2  }
0x9d: {  	[timem:s6], [sflag:s22] =	dma.local [hbm:s4], s20  }
0x9e: {  	_ =	swait.ge [sflag:s22], s20  }
0x9f: {  	s3 =	ssub.s32 $0x0, s20;
	[sflag:s22] =	ssyncset.done $0x0  }
0xa0: {  	[sflag:s22] =	ssyncadd.s32 s3;
	_ =	sdelay $0x1  }
0xa1: {  	s23 =	simm.s32 $0x1B8B  }
0xa2: {  	_ =	swait.ge [sflag:s23], $0x1  }
0xa3: {  	[sflag:s23] =	ssyncset.done $0x0  }
0xa4: {  	s25 =	simm.s32 $0x1B8E;
	s24 =	sld [smem:$0x3FFE];
	[sflag:s23] =	ssyncadd.s32 $0xFFFFFFFF  }
0xa5: {  	s26 =	simm.s32 $execute0_lowered;
	[smem:$0x3FD2] =	sst s25  }
0xa6: {  	s4 =	sshll.u32 s26, $0x1;
	_ =	strace $0x80000049;
	[dreg:$0x1] =	wrdreg $0xFFFFFFFF  }
0xa7: {  	s28 =	simm.s32 $_size_execute0_lowered;
	s2 =	sadd.s32 s2, s4;
	[dreg:$0x0] =	wrdreg $0x0  }
0xa8: {  	s4 =	sshll.u32 s28, $0x1;
	[dreg:$0x2] =	wrdreg s2  }
0xa9: {  	[dreg:$0x3] =	wrdreg s4  }
0xaa: {  	[dreg:$0x4] =	wrdreg $0xC0  }
0xab: {  	_ =	task [dreg:s6], $0x5FFFF  }
0xac: {  	[dreg:$0x1] =	wrdreg $0xFFFFFFFF  }
0xad: {  	[dreg:$0x0] =	wrdreg $0x60  }
0xae: {  	[dreg:$0x2] =	wrdreg s24  }
0xaf: {  	[dreg:$0x3] =	wrdreg $0x0  }
0xb0: {  	[dreg:$0x4] =	wrdreg $0x27100  }
0xb1: {  	[dreg:$0x5] =	wrdreg $0x9  }
0xb2: {  	_ =	task.clear_ibuf [dreg:s6], $0x6FFFF;
	_ =	strace $0x90000049  }
0xb3: {  	s29 =	simm.s32 $0x9;
	_ =	strace $0x8000004B  }
0xb4: {  	_ =	swait.ge [sflag:s29], $0x1  }
0xb5: {  	[sflag:s29] =	ssyncadd.s32 $0xFFFFFFFF  }
0xb6: {  	_ =	strace $0x9000004B  }
0xb7: {  	_ =	sfence  }
0xb8: {  	s30 =	sld [smem:$0x0];
	_ =	sdelay $0x2  }
0xb9: {  	s31 =	sshll.u32 s1, $0xD;
	s1 =	sshrl.u32 s1, $0x2  }
0xba: {  	s3 =	sand.u32 $0x4000, s31;
	s1 =	sadd.s32 s1, s30  }
0xbb: {  	s0 =	sor.u32 s3, s0;
	s1 =	sshll.u32 s1, $0x11  }
0xbc: {  	s0 =	sor.u32 s1, s0  }
0xbd: {  	s0 =	sadd.s32 $0x8F2B, s0  }
0xbe: {  	[sflag:s0] =	ssyncadd.remote.s32 $0x1  }
0xbf: {  	_ =	sfence.sel $0xFFFF  }
0xc0: {  	[dreg:$0x0] =	wrdreg $0xFFFFFFFF;
	(pc) =	sbr.abs _section_cstart, $3  }
0xc1: {  	[dreg:$0x1] =	wrdreg $0xFFFFFFFF  }
0xc2: {  	_ =	task.clear_ibuf [dreg:s6], $0x2FFFF;
	_ =	strace $0x9FFFFFFF  }
0xc3: {  	(tm) =	ssettm $0x7FFFFFFF  }
tec
execute0_lowered:
.L_overlay_start_1:
0x0: {  	(tag) =	ssettag $0x1  }
0x1: {  	s0 =	rddreg [dreg:$0x0]  }
0x2: {  	s2 =	rddreg [dreg:$0x1]  }
0x3: {  	s3 =	rddreg [dreg:$0x2];
	s6 =	simm.s32 $0x0;
	s8 =	stileid.u32  }
0x4: {  	s1 =	srdreg.scid;
	s12 =	simm.s32 $0x6D60;
	s13 =	simm.s32 $0x9560  }
0x5: {  	s15 =	simm.s32 $0xB;
	s17 =	simm.s32 $0x1;
	s18 =	simm.s32 $0x2  }
0x6: {  	s19 =	simm.s32 $0x7D;
	s20 =	simm.s32 $0x4E20;
	s22 =	simm.s32 $0x55F0  }
0x7: {  	s28 =	simm.s32 $0x3;
	s29 =	simm.s32 $0x4;
	s31 =	simm.s32 $0x5  }
0x8: {  	s30 =	simm.s32 $0x9;
	s21 =	simm.s32 $0x0;
	s4 =	smul.u32 $0x2710, s8  }
0x9: {  	s1 =	sand.u32 $0x1, s1;
	s5 =	sshll.u32 s8, $0x1;
	[smem:$0x7FF] =	sst s6  }
0xa: {  	s8 =	sshll.u32 s8, $0x6;
	s5 =	sor.u32 s1, s5;
	s23 =	smul.u32 $0x27100, s1  }
0xb: {  	_ =	strace $0x8000004A;
	s1 =	ssub.s32 $0x2, s1;
	s8 =	sor.u32 $0x1C0B, s8  }
0xc: {  	s7 =	sshrl.u32 s4, $0x3;
	s5 =	smul.u32 $0x500, s5;
	s24 =	sshrl.u32 s1, $0x1  }
0xd: {  	s26 =	sadd.s32 s4, s2;
	s9 =	sadd.s32 s7, s0;
	s6 =	sadd.s32 s4, s23  }
0xe: {  	s1 =	ssub.s32 s1, s24;
	s4 =	sadd.s32 s4, s3;
	s14 =	sshrl.u32 s26, $0x3  }
0xf: {  	s24 =	simm.s32 $0x5DC0;
	s26 =	simm.s32 $0x6590;
	s23 =	simm.s32 $0x7  }
0x10: {  	s5 =	sadd.s32 s5, s0;
	s6 =	sshrl.u32 s6, $0x3;
	s7 =	sadd.s32 $0x1A800, s9  }
0x11: {  	s9 =	sadd.s32 $0xB600, s9;
	s11 =	smax.u32 s1, $0x1;
	s25 =	sadd.s32 $0x10800, s5  }
0x12: {  	s16 =	sshrl.u32 s4, $0x3;
	s5 =	sadd.s32 $0x1600, s5;
	[dreg:$0x4] =	wrdreg s25  }
0x13: {  	s1 =	simm.s32 $0x6;
	s0 =	sadd.s32 s6, s0;
	[dreg:$0x5] =	wrdreg s5  }
0x14: {  	s10 =	sadd.s32 $0x1F800, s0;
	s25 =	simm.s32 $0x8;
	s0 =	simm.s32 $0xA  }
.LBB2_1:
0x15: {  	s4 =	simm.s32 $0x0;
	s5 =	rddreg [dreg:$0x4]  }
0x16: {  	[tilespmem:s12], [sflag:$0x1] =	stream.linear.gather [hbm4b:s5+s4], $0x2800, $0x38;
	[tilespmem:$0xBD60] =	vst v63  }
0x17: {  	s6 =	rddreg [dreg:$0x5]  }
0x18: {  	[tilespmem:s13], [sflag:$0x2] =	stream.linear.gather [hbm4b:s6+s4], $0x2800, $0x38;
	[tilespmem:$0xBD60] =	vst v63  }
0x19: {  	[spmem:s14], [sflag:s8] =	dma.local [hbm:s7], $0x4E2  }
0x1a: {  	_ =	swait.ge [sflag:s15], $0x4E2  }
0x1b: {  	[sflag:s15] =	ssyncset.done $0x0  }
0x1c: {  	[sflag:s15] =	ssyncadd.s32 $0xFFFFFB1E  }
0x1d: {  	[spmem:s16], [sflag:s8] =	dma.local [hbm:s9], $0x4E2  }
0x1e: {  	_ =	swait.ge [sflag:s15], $0x4E2  }
0x1f: {  	[sflag:s15] =	ssyncset.done $0x0  }
0x20: {  	[sflag:s15] =	ssyncadd.s32 $0xFFFFFB1E  }
0x21: {  	[bflag:$0x0] =	sbarrier.arrive $0xFFFF  }
0x22: {  	_ =	swait.ge [sflag:s17], $0x2800  }
0x23: {  	[sflag:s17] =	ssyncset.done $0x0  }
0x24: {  	[sflag:s17] =	ssyncadd.s32 $0xFFFFD800  }
0x25: {  	_ =	swait.ge [sflag:s18], $0x2800  }
0x26: {  	[sflag:s18] =	ssyncset.done $0x0  }
0x27: {  	[sflag:s18] =	ssyncadd.s32 $0xFFFFD800  }
0x28: {  	[tilespmem:s20], [sflag:$0x3] =	stream.indirect.gather [spmem:s3], $0x10, s12, s19, $0xb8;
	[tilespmem:$0xBD60] =	vst v63  }
0x29: {  	s6 =	simm.s32 $0x6DE0  }
0x2a: {  	[tilespmem:s22], [sflag:$0x4] =	stream.indirect.gather [spmem:s3], $0x10, s6, s19, $0xb8;
	[tilespmem:$0xBD60] =	vst v63  }
0x2b: {  	s5 =	simm.s32 $0x6E60  }
0x2c: {  	[tilespmem:s24], [sflag:$0x5] =	stream.indirect.gather [spmem:s3], $0x10, s5, s19, $0xb8;
	[tilespmem:$0xBD60] =	vst v63  }
0x2d: {  	s6 =	simm.s32 $0x6EE0  }
0x2e: {  	[tilespmem:s26], [sflag:$0x6] =	stream.indirect.gather [spmem:s3], $0x10, s6, s19, $0xb8;
	[tilespmem:$0xBD60] =	vst v63  }
0x2f: {  	_ =	swait.ge [sflag:s28], $0x7D0  }
0x30: {  	[sflag:s28] =	ssyncset.done $0x0  }
0x31: {  	[sflag:s28] =	ssyncadd.s32 $0xFFFFF830  }
0x32: {  	[spmem:s2] =	stream.indirect.scatter.add.f32 [tilespmem:s20], [sflag:$0x7], $0x10, s13, s19, $0xb8;
	[tilespmem:$0xBD60] =	vst v63  }
0x33: {  	_ =	swait.ge [sflag:s29], $0x7D0  }
0x34: {  	[sflag:s29] =	ssyncset.done $0x0  }
0x35: {  	s5 =	simm.s32 $0x95E0;
	[sflag:s29] =	ssyncadd.s32 $0xFFFFF830  }
0x36: {  	[spmem:s2] =	stream.indirect.scatter.add.f32 [tilespmem:s22], [sflag:$0x8], $0x10, s5, s19, $0xb8;
	[tilespmem:$0xBD60] =	vst v63  }
0x37: {  	_ =	swait.ge [sflag:s31], $0x7D0  }
0x38: {  	[sflag:s31] =	ssyncset.done $0x0  }
0x39: {  	s6 =	simm.s32 $0x9660;
	[sflag:s31] =	ssyncadd.s32 $0xFFFFF830  }
0x3a: {  	[spmem:s2] =	stream.indirect.scatter.add.f32 [tilespmem:s24], [sflag:$0x9], $0x10, s6, s19, $0xb8;
	[tilespmem:$0xBD60] =	vst v63  }
0x3b: {  	_ =	swait.ge [sflag:s1], $0x7D0  }
0x3c: {  	[sflag:s1] =	ssyncset.done $0x0  }
0x3d: {  	s5 =	simm.s32 $0x96E0;
	[sflag:s1] =	ssyncadd.s32 $0xFFFFF830  }
0x3e: {  	[spmem:s2] =	stream.indirect.scatter.add.f32 [tilespmem:s26], [sflag:$0xA], $0x10, s5, s19, $0xb8;
	[tilespmem:$0xBD60] =	vst v63  }
0x3f: {  	_ =	swait.ge [sflag:s23], $0x7D0  }
0x40: {  	[sflag:s23] =	ssyncset.done $0x0  }
0x41: {  	s6 =	simm.s32 $0x6F60;
	[sflag:s23] =	ssyncadd.s32 $0xFFFFF830  }
0x42: {  	[tilespmem:s20], [sflag:$0x3] =	stream.indirect.gather [spmem:s3], $0x10, s6, s19, $0xb8;
	[tilespmem:$0xBD60] =	vst v63  }
0x43: {  	_ =	swait.ge [sflag:s25], $0x7D0  }
0x44: {  	[sflag:s25] =	ssyncset.done $0x0  }
0x45: {  	s5 =	simm.s32 $0x6FE0;
	[sflag:s25] =	ssyncadd.s32 $0xFFFFF830  }
0x46: {  	[tilespmem:s22], [sflag:$0x4] =	stream.indirect.gather [spmem:s3], $0x10, s5, s19, $0xb8;
	[tilespmem:$0xBD60] =	vst v63  }
0x47: {  	_ =	swait.ge [sflag:s30], $0x7D0  }
0x48: {  	[sflag:s30] =	ssyncset.done $0x0  }
0x49: {  	s6 =	simm.s32 $0x7060;
	[sflag:s30] =	ssyncadd.s32 $0xFFFFF830  }
0x4a: {  	[tilespmem:s24], [sflag:$0x5] =	stream.indirect.gather [spmem:s3], $0x10, s6, s19, $0xb8;
	[tilespmem:$0xBD60] =	vst v63  }
0x4b: {  	_ =	swait.ge [sflag:s0], $0x7D0  }
0x4c: {  	[sflag:s0] =	ssyncset.done $0x0  }
0x4d: {  	s5 =	simm.s32 $0x70E0;
	[sflag:s0] =	ssyncadd.s32 $0xFFFFF830  }
0x4e: {  	[tilespmem:s26], [sflag:$0x6] =	stream.indirect.gather [spmem:s3], $0x10, s5, s19, $0xb8;
	[tilespmem:$0xBD60] =	vst v63  }
0x4f: {  	_ =	swait.ge [sflag:s28], $0x7D0  }
0x50: {  	[sflag:s28] =	ssyncset.done $0x0  }
0x51: {  	s6 =	simm.s32 $0x9760;
	[sflag:s28] =	ssyncadd.s32 $0xFFFFF830  }
0x52: {  	[spmem:s2] =	stream.indirect.scatter.add.f32 [tilespmem:s20], [sflag:$0x7], $0x10, s6, s19, $0xb8;
	[tilespmem:$0xBD60] =	vst v63  }
0x53: {  	_ =	swait.ge [sflag:s29], $0x7D0  }
0x54: {  	[sflag:s29] =	ssyncset.done $0x0  }
0x55: {  	s5 =	simm.s32 $0x97E0;
	[sflag:s29] =	ssyncadd.s32 $0xFFFFF830  }
0x56: {  	[spmem:s2] =	stream.indirect.scatter.add.f32 [tilespmem:s22], [sflag:$0x8], $0x10, s5, s19, $0xb8;
	[tilespmem:$0xBD60] =	vst v63  }
0x57: {  	_ =	swait.ge [sflag:s31], $0x7D0  }
0x58: {  	[sflag:s31] =	ssyncset.done $0x0  }
0x59: {  	s6 =	simm.s32 $0x9860;
	[sflag:s31] =	ssyncadd.s32 $0xFFFFF830  }
0x5a: {  	[spmem:s2] =	stream.indirect.scatter.add.f32 [tilespmem:s24], [sflag:$0x9], $0x10, s6, s19, $0xb8;
	[tilespmem:$0xBD60] =	vst v63  }
0x5b: {  	_ =	swait.ge [sflag:s1], $0x7D0  }
0x5c: {  	[sflag:s1] =	ssyncset.done $0x0  }
0x5d: {  	s4 =	simm.s32 $0x800;
	s5 =	simm.s32 $0x98E0;
	[sflag:s1] =	ssyncadd.s32 $0xFFFFF830  }
.LBB2_2:
0x5e: {  	[spmem:s2] =	stream.indirect.scatter.add.f32 [tilespmem:s26], [sflag:$0xA], $0x10, s5, s19, $0xb8;
	[tilespmem:$0xBD60] =	vst v63  }
0x5f: {  	s5 =	smov.u32 s4  }
0x60: {  	p0 =	sne.s32 s4, $0x9000;
	s4 =	sadd.s32 $0x800, s4;
	_ =	swait.ge [sflag:s23], $0x7D0  }
0x61: {  	s5 =	sshra.s32 s5, $0x2;
	[sflag:s23] =	ssyncset.done $0x0  }
0x62: {  	s6 =	sadd.s32 $0x6F60, s5;
	[sflag:s23] =	ssyncadd.s32 $0xFFFFF830  }
0x63: {  	[tilespmem:s20], [sflag:$0x3] =	stream.indirect.gather [spmem:s3], $0x10, s6, s19, $0xb8;
	[tilespmem:$0xBD60] =	vst v63  }
0x64: {  	_ =	swait.ge [sflag:s25], $0x7D0  }
0x65: {  	[sflag:s25] =	ssyncset.done $0x0  }
0x66: {  	s6 =	sadd.s32 $0x6FE0, s5;
	[sflag:s25] =	ssyncadd.s32 $0xFFFFF830  }
0x67: {  	[tilespmem:s22], [sflag:$0x4] =	stream.indirect.gather [spmem:s3], $0x10, s6, s19, $0xb8;
	[tilespmem:$0xBD60] =	vst v63  }
0x68: {  	_ =	swait.ge [sflag:s30], $0x7D0  }
0x69: {  	[sflag:s30] =	ssyncset.done $0x0  }
0x6a: {  	s6 =	sadd.s32 $0x7060, s5;
	[sflag:s30] =	ssyncadd.s32 $0xFFFFF830  }
0x6b: {  	[tilespmem:s24], [sflag:$0x5] =	stream.indirect.gather [spmem:s3], $0x10, s6, s19, $0xb8;
	[tilespmem:$0xBD60] =	vst v63  }
0x6c: {  	_ =	swait.ge [sflag:s0], $0x7D0  }
0x6d: {  	[sflag:s0] =	ssyncset.done $0x0  }
0x6e: {  	s6 =	sadd.s32 $0x70E0, s5;
	[sflag:s0] =	ssyncadd.s32 $0xFFFFF830  }
0x6f: {  	[tilespmem:s26], [sflag:$0x6] =	stream.indirect.gather [spmem:s3], $0x10, s6, s19, $0xb8;
	[tilespmem:$0xBD60] =	vst v63  }
0x70: {  	_ =	swait.ge [sflag:s28], $0x7D0  }
0x71: {  	[sflag:s28] =	ssyncset.done $0x0  }
0x72: {  	s6 =	sadd.s32 $0x9760, s5;
	[sflag:s28] =	ssyncadd.s32 $0xFFFFF830  }
0x73: {  	[spmem:s2] =	stream.indirect.scatter.add.f32 [tilespmem:s20], [sflag:$0x7], $0x10, s6, s19, $0xb8;
	[tilespmem:$0xBD60] =	vst v63  }
0x74: {  	_ =	swait.ge [sflag:s29], $0x7D0  }
0x75: {  	[sflag:s29] =	ssyncset.done $0x0  }
0x76: {  	s6 =	sadd.s32 $0x97E0, s5;
	[sflag:s29] =	ssyncadd.s32 $0xFFFFF830  }
0x77: {  	[spmem:s2] =	stream.indirect.scatter.add.f32 [tilespmem:s22], [sflag:$0x8], $0x10, s6, s19, $0xb8;
	[tilespmem:$0xBD60] =	vst v63  }
0x78: {  	_ =	swait.ge [sflag:s31], $0x7D0  }
0x79: {  	[sflag:s31] =	ssyncset.done $0x0  }
.Ltmp0:
0x7a: {  	s6 =	sadd.s32 $0x9860, s5;
	[sflag:s31] =	ssyncadd.s32 $0xFFFFF830;
	(pc) =	sbr.rel @p0 .LBB2_2-.Ltmp0, $4  }
0x7b: {  	[spmem:s2] =	stream.indirect.scatter.add.f32 [tilespmem:s24], [sflag:$0x9], $0x10, s6, s19, $0xb8;
	[tilespmem:$0xBD60] =	vst v63  }
0x7c: {  	_ =	swait.ge [sflag:s1], $0x7D0  }
0x7d: {  	[sflag:s1] =	ssyncset.done $0x0  }
0x7e: {  	s5 =	sadd.s32 $0x98E0, s5;
	[sflag:s1] =	ssyncadd.s32 $0xFFFFF830  }
0x7f: {  	[spmem:s2] =	stream.indirect.scatter.add.f32 [tilespmem:s26], [sflag:$0xA], $0x10, s5, s19, $0xb8;
	[tilespmem:$0xBD60] =	vst v63  }
0x80: {  	_ =	swait.ge [sflag:s23], $0x7D0  }
0x81: {  	[sflag:s23] =	ssyncset.done $0x0  }
0x82: {  	[sflag:s23] =	ssyncadd.s32 $0xFFFFF830  }
0x83: {  	_ =	swait.ge [sflag:s25], $0x7D0  }
0x84: {  	[sflag:s25] =	ssyncset.done $0x0  }
0x85: {  	[sflag:s25] =	ssyncadd.s32 $0xFFFFF830  }
0x86: {  	_ =	swait.ge [sflag:s30], $0x7D0  }
0x87: {  	[sflag:s30] =	ssyncset.done $0x0  }
0x88: {  	[sflag:s30] =	ssyncadd.s32 $0xFFFFF830  }
0x89: {  	_ =	swait.ge [sflag:s0], $0x7D0  }
0x8a: {  	s21 =	sadd.s32 $0x1, s21;
	[sflag:s0] =	ssyncset.done $0x0  }
0x8b: {  	p0 =	sne.s32 s21, s11;
	[sflag:s0] =	ssyncadd.s32 $0xFFFFF830  }
.Ltmp1:
0x8c: {  	[bflag:$0x0] =	sbarrier.arrive $0xFFFF;
	(pc) =	sbr.rel @p0 .LBB2_1-.Ltmp1, $4  }
0x8d: {  	[hbm:s10], [sflag:s8] =	dma.local [spmem:s14], $0x4E2  }
0x8e: {  	_ =	swait.ge [sflag:s15], $0x4E2  }
0x8f: {  	[sflag:s15] =	ssyncset.done $0x0  }
0x90: {  	[sflag:s15] =	ssyncadd.s32 $0xFFFFFB1E  }
0x91: {  	_ =	sfence.sel $0x180000  }
0x92: {  	[bflag:$0x0] =	sbarrier.arrive $0xFFFF  }
0x93: {  	_ =	strace $0x9000004A  }
0x94: {  	s0 =	stileid.u32;
	[bflag:$0x2] =	sbarrier.arrive $0xFFFF  }
0x95: {  	p0 =	sne.s32 s0, $0x0;
	s0 =	rddreg [dreg:$0x3]  }
0x96: {  	s0 =	sadd.s32 @!p0 $0x100000, s0  }
0x97: {  	[sflag:s0] =	ssyncadd.tile.s32 @!p0 $0x1;
	_ =	shalt  }
.Lfunc_end2:
_tile_overlayer_lowered:
.L_overlay_start_2:
0x98: {  	(tag) =	ssettag $0x2  }
0x99: {  	s0 =	rddreg [dreg:$0x0];
	s2 =	stileid.u32  }
0x9a: {  	s1 =	rddreg [dreg:$0x1];
	p0 =	sne.s32 s2, $0x0  }
0x9b: {  	s3 =	rddreg [dreg:$0x2];
	[bflag:$0x3] =	sbarrier.arrive $0xFFFF;
	s2 =	simm.s32 @!p0 $0x1C0B  }
0x9c: {  	[timem:s3], [sflag:s2] =	dma.local @!p0 [hbm:s0], s1  }
0x9d: {  	s0 =	simm.s32 @!p0 $0xB  }
0x9e: {  	_ =	swait.ge @!p0 [sflag:s0], s1  }
0x9f: {  	s1 =	ssub.s32 @!p0 $0x0, s1;
	[sflag:s0] =	ssyncset.done @!p0 $0x0  }
0xa0: {  	[sflag:s0] =	ssyncadd.s32 @!p0 s1  }
0xa1: {  	[bflag:$0x3] =	sbarrier.arrive $0xFFFF  }
0xa2: {  	_ =	shalt  }

// kernel: kernel.14.cloned.1.call-start
scs
__scs_entry_jumppad:
0x0: {  	(pc) =	sbr.rel $0x88, $3  }
0x1: {  	(tag) =	ssettag $0x0;
	lr =	simm.s32 $0x1  }
0x2: {  	[smem:$0x3F9B] =	sst lr;
	_ =	strace $0xD0000000  }
0x3: {  	_ = 	snop  }
0x4: {  	_ = 	snop  }
0x5: {  	_ = 	snop  }
0x6: {  	_ = 	snop  }
0x7: {  	_ = 	snop  }
__scs_overlays_trampoline_lowered:
0x8: {  	[smem:$0x3FAA] =	sst s0  }
0x9: {  	[smem:$0x3FAB] =	sst s1  }
0xa: {  	[smem:$0x3FAC] =	sst s2  }
0xb: {  	[smem:$0x3FAD] =	sst s3  }
0xc: {  	[smem:$0x3FAE] =	sst s4  }
0xd: {  	[smem:$0x3FAF] =	sst s5  }
0xe: {  	[smem:$0x3FB0] =	sst s6  }
0xf: {  	[smem:$0x3FB1] =	sst s7  }
0x10: {  	[smem:$0x3FB2] =	sst s8  }
0x11: {  	[smem:$0x3FB3] =	sst s9;
	s0 =	simm.s32 @!p0 $0x0  }
0x12: {  	s1 =	sld [smem:$0x3F99];
	s0 =	simm.s32 @p0 $0x1  }
0x13: {  	[smem:$0x3FB4] =	sst s0;
	s0 =	simm.s32 @!p1 $0x0  }
0x14: {  	s2 =	sld [smem:$0x3F98];
	s0 =	simm.s32 @p1 $0x1  }
0x15: {  	[smem:$0x3FB5] =	sst s0;
	s0 =	simm.s32 @!p2 $0x0  }
0x16: {  	s3 =	sld [smem:$0x3FDB];
	s0 =	simm.s32 @p2 $0x1  }
0x17: {  	s4 =	simm.s32 $0x1BF5;
	[smem:$0x3FB7] =	sst s0  }
0x18: {  	s0 =	sld [smem:$0x3F9A];
	_ =	swait.ge [sflag:s4], $0x0  }
0x19: {  	s7 =	sld [smem:$0x3F9B]  }
0x1a: {  	s8 =	sadd.s32 $0xFFFFE003, lr  }
0x1b: {  	s9 =	sadd.s32 $0xFFFFFEF7, lr;
	s5 =	simm.s32 $0xFFFFFFFF;
	p2 =	slt.u32 s8, $0xFFFFF086  }
0x1c: {  	p1 =	slt.u32 s9, $0xF7A;
	s5 =	simm.s32 @!p2 $0x0  }
0x1d: {  	s5 =	simm.s32 @p1 $0x1;
	p0 =	seq.s32 s7, s2  }
0x1e: {  	s7 =	smul.u32 @!p0 $0xF7A, s2;
	p2 =	seq.s32 @!p0 s5, $0x0  }
0x1f: {  	s9 =	smul.u32 $0xF7A, s1;
	s8 =	simm.s32 @!p0 $0x1BF5;
	p2 =	por !p2, p0  }
0x20: {  	[sflag:s8] =	ssyncset.s32 @!p0 $0xFFFFF086;
	s6 =	sadd.s32 @!p0 s3, s7;
	s7 =	simm.s32 @!p0 $0x108  }
0x21: {  	s3 =	sadd.s32 s3, s9;
	s6 =	sadd.s32 @!p0 $0x88, s6;
	s7 =	simm.s32 @p2 $0x1082  }
0x22: {  	[simem:s7], [sflag:s8] =	dma.local @!p0 [hbm:s6], $0xF7A  }
0x23: {  	s9 =	sor.u32 $0xD0000000, s2;
	s6 =	simm.s32 $0x108;
	_ =	swait.ge @!p0 [sflag:s8], $0x0  }
0x24: {  	s3 =	sadd.s32 $0x88, s3;
	s6 =	simm.s32 @!p1 $0x1082;
	[sflag:s4] =	ssyncset.s32 $0xFFFFF086  }
0x25: {  	[simem:s6], [sflag:s4] =	dma.local [hbm:s3], $0xF7A  }
0x26: {  	[smem:$0x3F9B] =	sst s1;
	(tag) =	ssettag s2;
	_ =	strace s9  }
0x27: {  	s1 =	sld [smem:$0x3FAB]  }
0x28: {  	s2 =	sld [smem:$0x3FAC]  }
0x29: {  	s4 =	sld [smem:$0x3FAE]  }
0x2a: {  	p0 =	seq.s32 s5, $0x0;
	s5 =	sld [smem:$0x3FAF]  }
0x2b: {  	s6 =	sld [smem:$0x3FB0]  }
0x2c: {  	s7 =	sld [smem:$0x3FB1]  }
0x2d: {  	s3 =	simm.s32 $0x108;
	s8 =	sld [smem:$0x3FB2]  }
0x2e: {  	s3 =	simm.s32 @!p0 $0x1082;
	s9 =	sld [smem:$0x3FB3]  }
0x2f: {  	lr =	sadd.s32 s0, s3;
	s0 =	sld [smem:$0x3FAA]  }
0x30: {  	s3 =	sld [smem:$0x3FAD]  }
0x31: {  	[smem:$0x3FB6] =	sst s10  }
0x32: {  	s10 =	sld [smem:$0x3FB4];
	_ =	sdelay $0x3  }
0x33: {  	p0 =	seq.s32 s10, $0x1;
	s10 =	sld [smem:$0x3FB6];
	_ =	sdelay $0x3  }
0x34: {  	[smem:$0x3FB6] =	sst s10  }
0x35: {  	s10 =	sld [smem:$0x3FB5];
	_ =	sdelay $0x3  }
0x36: {  	p1 =	seq.s32 s10, $0x1;
	s10 =	sld [smem:$0x3FB6];
	_ =	sdelay $0x3  }
0x37: {  	[smem:$0x3FB6] =	sst s10  }
0x38: {  	s10 =	sld [smem:$0x3FB7]  }
0x39: {  	_ = 	snop;
	(pc) =	sbr.ind lr, $3  }
0x3a: {  	_ = 	snop  }
0x3b: {  	_ = 	snop  }
0x3c: {  	p2 =	seq.s32 s10, $0x1;
	s10 =	sld [smem:$0x3FB6]  }
0x3d: {  	_ =	shalt  }
0x3e: {  	_ =	shalt  }
0x3f: {  	_ =	shalt  }
0x40: {  	_ =	shalt  }
0x41: {  	_ =	shalt  }
0x42: {  	_ =	shalt  }
0x43: {  	_ =	shalt  }
0x44: {  	_ =	shalt  }
0x45: {  	_ =	shalt  }
0x46: {  	_ =	shalt  }
0x47: {  	_ =	shalt  }
0x48: {  	_ =	shalt  }
0x49: {  	_ =	shalt  }
0x4a: {  	_ =	shalt  }
0x4b: {  	_ =	shalt  }
0x4c: {  	_ =	shalt  }
0x4d: {  	_ =	shalt  }
0x4e: {  	_ =	shalt  }
0x4f: {  	_ =	shalt  }
0x50: {  	_ =	shalt  }
0x51: {  	_ =	shalt  }
0x52: {  	_ =	shalt  }
0x53: {  	_ =	shalt  }
0x54: {  	_ =	shalt  }
0x55: {  	_ =	shalt  }
0x56: {  	_ =	shalt  }
0x57: {  	_ =	shalt  }
0x58: {  	_ =	shalt  }
0x59: {  	_ =	shalt  }
0x5a: {  	_ =	shalt  }
0x5b: {  	_ =	shalt  }
0x5c: {  	_ =	shalt  }
0x5d: {  	_ =	shalt  }
0x5e: {  	_ =	shalt  }
0x5f: {  	_ =	shalt  }
0x60: {  	_ =	shalt  }
0x61: {  	_ =	shalt  }
0x62: {  	_ =	shalt  }
0x63: {  	_ =	shalt  }
0x64: {  	_ =	shalt  }
0x65: {  	_ =	shalt  }
0x66: {  	_ =	shalt  }
0x67: {  	_ =	shalt  }
0x68: {  	_ =	shalt  }
0x69: {  	_ =	shalt  }
0x6a: {  	_ =	shalt  }
0x6b: {  	_ =	shalt  }
0x6c: {  	_ =	shalt  }
0x6d: {  	_ =	shalt  }
0x6e: {  	_ =	shalt  }
0x6f: {  	_ =	shalt  }
0x70: {  	_ =	shalt  }
0x71: {  	_ =	shalt  }
0x72: {  	_ =	shalt  }
0x73: {  	_ =	shalt  }
0x74: {  	_ =	shalt  }
0x75: {  	_ =	shalt  }
0x76: {  	_ =	shalt  }
0x77: {  	_ =	shalt  }
0x78: {  	_ =	shalt  }
0x79: {  	_ =	shalt  }
0x7a: {  	_ =	shalt  }
0x7b: {  	_ =	shalt  }
0x7c: {  	_ =	shalt  }
0x7d: {  	_ =	shalt  }
0x7e: {  	_ =	shalt  }
0x7f: {  	_ =	shalt  }
0x80: {  	_ =	shalt  }
0x81: {  	_ =	shalt  }
0x82: {  	_ =	shalt  }
0x83: {  	_ =	shalt  }
0x84: {  	_ =	shalt  }
0x85: {  	_ =	shalt  }
0x86: {  	_ =	shalt  }
0x87: {  	_ =	shalt  }
.Lfunc_end0:
.L_simem_size_0:
called_computation.2_lowered:
.L_overlay_start_0:
0x88: {  	s2 =	sld [smem:$0x3FD9]  }
0x89: {  	s3 =	sld [smem:$0x3FFE];
	_ =	sdelay $0x1  }
0x8a: {  	s1 =	srdreg.scid  }
0x8b: {  	s0 =	sand.u32 $0x1, s1  }
0x8c: {  	s17 =	sshll.u32 s0, $0xA;
	s2 =	sadd.s32 s3, s2  }
0x8d: {  	s2 =	sadd.s32 s2, s17  }
0x8e: {  	[smem:$0x3FC2] =	sst s2  }
0x8f: {  	_ = 	snop  }
0x90: {  	s2 =	sld [smem:$0x3FD0];
	(tm) =	ssettm $0x1  }
0x91: {  	s18 =	sld [smem:$0x3FFB];
	_ =	sdelay $0x3  }
0x92: {  	_ =	strace s18  }
0x93: {  	s3 =	sld [smem:$0x3FFC];
	_ =	sdelay $0x3  }
0x94: {  	_ =	strace s3  }
0x95: {  	s3 =	sld [smem:$0x3FFD];
	_ =	sdelay $0x3  }
0x96: {  	_ =	strace s3  }
0x97: {  	_ =	strace $0x8FFFFFFF  }
0x98: {  	s19 =	sld [smem:$0x3FDB];
	_ =	sdelay $0x1  }
0x99: {  	s4 =	simm.s32 $_scs_section_size  }
0x9a: {  	s5 =	simm.s32 $_size__tile_overlayer_lowered;
	s6 =	simm.s32 $_tile_overlayer_lowered  }
0x9b: {  	s22 =	simm.s32 $0x1BFF;
	s21 =	sshll.u32 s6, $0x1;
	s3 =	sadd.s32 s4, s19  }
0x9c: {  	s7 =	simm.s32 $0x0;
	s20 =	sshll.u32 s5, $0x1;
	s5 =	sadd.s32 s21, s3  }
0x9d: {  	[timem:s7], [sflag:s22] =	dma.local [hbm:s5], s20  }
0x9e: {  	_ =	swait.ge [sflag:s22], s20  }
0x9f: {  	s4 =	ssub.s32 $0x0, s20;
	[sflag:s22] =	ssyncset.done $0x0  }
0xa0: {  	[sflag:s22] =	ssyncadd.s32 s4;
	_ =	sdelay $0x1  }
0xa1: {  	s23 =	simm.s32 $0x1B8B  }
0xa2: {  	_ =	swait.ge [sflag:s23], $0x1  }
0xa3: {  	[sflag:s23] =	ssyncset.done $0x0  }
0xa4: {  	s25 =	simm.s32 $0x1B8E;
	s24 =	sld [smem:$0x3FFE];
	[sflag:s23] =	ssyncadd.s32 $0xFFFFFFFF  }
0xa5: {  	s26 =	simm.s32 $execute0_lowered;
	[smem:$0x3FD2] =	sst s25  }
0xa6: {  	s5 =	sshll.u32 s26, $0x1;
	_ =	strace $0x8000004C;
	[dreg:$0x1] =	wrdreg $0xFFFFFFFF  }
0xa7: {  	s28 =	simm.s32 $_size_execute0_lowered;
	s3 =	sadd.s32 s3, s5;
	[dreg:$0x0] =	wrdreg $0x0  }
0xa8: {  	s5 =	sshll.u32 s28, $0x1;
	[dreg:$0x2] =	wrdreg s3  }
0xa9: {  	[dreg:$0x3] =	wrdreg s5  }
0xaa: {  	[dreg:$0x4] =	wrdreg $0xC0  }
0xab: {  	_ =	task [dreg:s7], $0x5FFFF  }
0xac: {  	[dreg:$0x1] =	wrdreg $0xFFFFFFFF  }
0xad: {  	[dreg:$0x0] =	wrdreg $0x60  }
0xae: {  	[dreg:$0x2] =	wrdreg s24  }
0xaf: {  	[dreg:$0x3] =	wrdreg s2  }
0xb0: {  	[dreg:$0x4] =	wrdreg $0x0  }
0xb1: {  	[dreg:$0x5] =	wrdreg $0x13880  }
0xb2: {  	[dreg:$0x6] =	wrdreg $0x9  }
0xb3: {  	_ =	task.clear_ibuf [dreg:s7], $0x7FFFF;
	_ =	strace $0x9000004C  }
0xb4: {  	s29 =	simm.s32 $0x9;
	_ =	strace $0x8000004E  }
0xb5: {  	_ =	swait.ge [sflag:s29], $0x1  }
0xb6: {  	[sflag:s29] =	ssyncadd.s32 $0xFFFFFFFF  }
0xb7: {  	_ =	strace $0x9000004E  }
0xb8: {  	_ =	sfence  }
0xb9: {  	s30 =	sld [smem:$0x0];
	_ =	sdelay $0x2  }
0xba: {  	s31 =	sshll.u32 s1, $0xD;
	s1 =	sshrl.u32 s1, $0x2  }
0xbb: {  	s3 =	sand.u32 $0x4000, s31;
	s1 =	sadd.s32 s1, s30  }
0xbc: {  	s0 =	sor.u32 s3, s0;
	s1 =	sshll.u32 s1, $0x11  }
0xbd: {  	s0 =	sor.u32 s1, s0  }
0xbe: {  	s0 =	sadd.s32 $0x8F2B, s0  }
0xbf: {  	[sflag:s0] =	ssyncadd.remote.s32 $0x1  }
0xc0: {  	_ =	sfence.sel $0xFFFF  }
0xc1: {  	[dreg:$0x0] =	wrdreg $0xFFFFFFFF;
	(pc) =	sbr.abs _section_cstart, $3  }
0xc2: {  	[dreg:$0x1] =	wrdreg $0xFFFFFFFF  }
0xc3: {  	_ =	task.clear_ibuf [dreg:s7], $0x2FFFF;
	_ =	strace $0x9FFFFFFF  }
0xc4: {  	(tm) =	ssettm $0x7FFFFFFF  }
0xc5: {  	_ =	shalt  }
tec
execute0_lowered:
.L_overlay_start_1:
0x0: {  	(tag) =	ssettag $0x1  }
0x1: {  	s0 =	rddreg [dreg:$0x0]  }
0x2: {  	s1 =	rddreg [dreg:$0x1]  }
0x3: {  	s2 =	rddreg [dreg:$0x2]  }
0x4: {  	s3 =	rddreg [dreg:$0x3];
	s7 =	simm.s32 $0x0;
	s11 =	stileid.u32  }
0x5: {  	s4 =	srdreg.scid;
	s12 =	simm.s32 $0x36B0;
	s13 =	simm.s32 $0x5EB0  }
0x6: {  	s15 =	simm.s32 $0xB;
	s17 =	simm.s32 $0x1;
	s18 =	simm.s32 $0x2  }
0x7: {  	s19 =	simm.s32 $0x7D;
	s20 =	simm.s32 $0x2710;
	s22 =	simm.s32 $0x2AF8  }
0x8: {  	s28 =	simm.s32 $0x3;
	s29 =	simm.s32 $0x4;
	s31 =	simm.s32 $0x5  }
0x9: {  	s30 =	simm.s32 $0x9;
	s21 =	simm.s32 $0x0;
	s5 =	smul.u32 $0x1388, s11  }
0xa: {  	s4 =	sand.u32 $0x1, s4;
	s6 =	sshll.u32 s11, $0x1;
	[smem:$0x7FF] =	sst s7  }
0xb: {  	s25 =	sshll.u32 s11, $0x6;
	s6 =	sor.u32 s4, s6;
	s23 =	smul.u32 $0x13880, s4  }
0xc: {  	_ =	strace $0x8000004D;
	s4 =	ssub.s32 $0x2, s4;
	s8 =	sshrl.u32 s5, $0x3  }
0xd: {  	s6 =	smul.u32 $0x500, s6;
	s10 =	sshrl.u32 s4, $0x1;
	s14 =	sadd.s32 s5, s2  }
0xe: {  	s26 =	sadd.s32 s5, s3;
	s9 =	sadd.s32 s8, s0;
	s7 =	sadd.s32 s5, s23  }
0xf: {  	s4 =	ssub.s32 s4, s10;
	s14 =	sshrl.u32 s14, $0x3;
	s16 =	sshrl.u32 s26, $0x3  }
0x10: {  	s26 =	simm.s32 $0x32C8;
	s23 =	simm.s32 $0x7;
	s6 =	sadd.s32 s6, s0  }
0x11: {  	s7 =	sshrl.u32 s7, $0x3;
	s9 =	sadd.s32 $0xB600, s9;
	s11 =	smax.u32 s4, $0x1  }
0x12: {  	s0 =	sadd.s32 s7, s0;
	s24 =	sadd.s32 $0x10800, s6;
	s6 =	sadd.s32 $0x1600, s6  }
0x13: {  	s7 =	sadd.s32 s1, s8;
	s8 =	sor.u32 $0x1C0B, s25;
	[dreg:$0x5] =	wrdreg s24  }
0x14: {  	s1 =	simm.s32 $0x6;
	s25 =	simm.s32 $0x8;
	[dreg:$0x6] =	wrdreg s6  }
0x15: {  	s10 =	sadd.s32 $0x1A800, s0;
	s24 =	simm.s32 $0x2EE0;
	s0 =	simm.s32 $0xA  }
.LBB2_1:
0x16: {  	s4 =	simm.s32 $0x0;
	s5 =	rddreg [dreg:$0x5]  }
0x17: {  	[tilespmem:s12], [sflag:$0x1] =	stream.linear.gather [hbm4b:s5+s4], $0x2800, $0x38;
	[tilespmem:$0x86B0] =	vst v63  }
0x18: {  	s6 =	rddreg [dreg:$0x6]  }
0x19: {  	[tilespmem:s13], [sflag:$0x2] =	stream.linear.gather [hbm4b:s6+s4], $0x2800, $0x38;
	[tilespmem:$0x86B0] =	vst v63  }
0x1a: {  	[spmem:s14], [sflag:s8] =	dma.local [hbm:s7], $0x271  }
0x1b: {  	_ =	swait.ge [sflag:s15], $0x271  }
0x1c: {  	[sflag:s15] =	ssyncset.done $0x0  }
0x1d: {  	[sflag:s15] =	ssyncadd.s32 $0xFFFFFD8F  }
0x1e: {  	[spmem:s16], [sflag:s8] =	dma.local [hbm:s9], $0x271  }
0x1f: {  	_ =	swait.ge [sflag:s15], $0x271  }
0x20: {  	[sflag:s15] =	ssyncset.done $0x0  }
0x21: {  	[sflag:s15] =	ssyncadd.s32 $0xFFFFFD8F  }
0x22: {  	[bflag:$0x0] =	sbarrier.arrive $0xFFFF  }
0x23: {  	_ =	swait.ge [sflag:s17], $0x2800  }
0x24: {  	[sflag:s17] =	ssyncset.done $0x0  }
0x25: {  	[sflag:s17] =	ssyncadd.s32 $0xFFFFD800  }
0x26: {  	_ =	swait.ge [sflag:s18], $0x2800  }
0x27: {  	[sflag:s18] =	ssyncset.done $0x0  }
0x28: {  	[sflag:s18] =	ssyncadd.s32 $0xFFFFD800  }
0x29: {  	[tilespmem:s20], [sflag:$0x3] =	stream.indirect.gather [spmem:s3], $0x8, s12, s19, $0xb8;
	[tilespmem:$0x86B0] =	vst v63  }
0x2a: {  	s6 =	simm.s32 $0x3730  }
0x2b: {  	[tilespmem:s22], [sflag:$0x4] =	stream.indirect.gather [spmem:s3], $0x8, s6, s19, $0xb8;
	[tilespmem:$0x86B0] =	vst v63  }
0x2c: {  	s5 =	simm.s32 $0x37B0  }
0x2d: {  	[tilespmem:s24], [sflag:$0x5] =	stream.indirect.gather [spmem:s3], $0x8, s5, s19, $0xb8;
	[tilespmem:$0x86B0] =	vst v63  }
0x2e: {  	s6 =	simm.s32 $0x3830  }
0x2f: {  	[tilespmem:s26], [sflag:$0x6] =	stream.indirect.gather [spmem:s3], $0x8, s6, s19, $0xb8;
	[tilespmem:$0x86B0] =	vst v63  }
0x30: {  	_ =	swait.ge [sflag:s28], $0x3E8  }
0x31: {  	[sflag:s28] =	ssyncset.done $0x0  }
0x32: {  	[sflag:s28] =	ssyncadd.s32 $0xFFFFFC18  }
0x33: {  	[spmem:s2] =	stream.indirect.scatter.add.f32 [tilespmem:s20], [sflag:$0x7], $0x8, s13, s19, $0xb8;
	[tilespmem:$0x86B0] =	vst v63  }
0x34: {  	_ =	swait.ge [sflag:s29], $0x3E8  }
0x35: {  	[sflag:s29] =	ssyncset.done $0x0  }
0x36: {  	s5 =	simm.s32 $0x5F30;
	[sflag:s29] =	ssyncadd.s32 $0xFFFFFC18  }
0x37: {  	[spmem:s2] =	stream.indirect.scatter.add.f32 [tilespmem:s22], [sflag:$0x8], $0x8, s5, s19, $0xb8;
	[tilespmem:$0x86B0] =	vst v63  }
0x38: {  	_ =	swait.ge [sflag:s31], $0x3E8  }
0x39: {  	[sflag:s31] =	ssyncset.done $0x0  }
0x3a: {  	s6 =	simm.s32 $0x5FB0;
	[sflag:s31] =	ssyncadd.s32 $0xFFFFFC18  }
0x3b: {  	[spmem:s2] =	stream.indirect.scatter.add.f32 [tilespmem:s24], [sflag:$0x9], $0x8, s6, s19, $0xb8;
	[tilespmem:$0x86B0] =	vst v63  }
0x3c: {  	_ =	swait.ge [sflag:s1], $0x3E8  }
0x3d: {  	[sflag:s1] =	ssyncset.done $0x0  }
0x3e: {  	s5 =	simm.s32 $0x6030;
	[sflag:s1] =	ssyncadd.s32 $0xFFFFFC18  }
0x3f: {  	[spmem:s2] =	stream.indirect.scatter.add.f32 [tilespmem:s26], [sflag:$0xA], $0x8, s5, s19, $0xb8;
	[tilespmem:$0x86B0] =	vst v63  }
0x40: {  	_ =	swait.ge [sflag:s23], $0x3E8  }
0x41: {  	[sflag:s23] =	ssyncset.done $0x0  }
0x42: {  	s6 =	simm.s32 $0x38B0;
	[sflag:s23] =	ssyncadd.s32 $0xFFFFFC18  }
0x43: {  	[tilespmem:s20], [sflag:$0x3] =	stream.indirect.gather [spmem:s3], $0x8, s6, s19, $0xb8;
	[tilespmem:$0x86B0] =	vst v63  }
0x44: {  	_ =	swait.ge [sflag:s25], $0x3E8  }
0x45: {  	[sflag:s25] =	ssyncset.done $0x0  }
0x46: {  	s5 =	simm.s32 $0x3930;
	[sflag:s25] =	ssyncadd.s32 $0xFFFFFC18  }
0x47: {  	[tilespmem:s22], [sflag:$0x4] =	stream.indirect.gather [spmem:s3], $0x8, s5, s19, $0xb8;
	[tilespmem:$0x86B0] =	vst v63  }
0x48: {  	_ =	swait.ge [sflag:s30], $0x3E8  }
0x49: {  	[sflag:s30] =	ssyncset.done $0x0  }
0x4a: {  	s6 =	simm.s32 $0x39B0;
	[sflag:s30] =	ssyncadd.s32 $0xFFFFFC18  }
0x4b: {  	[tilespmem:s24], [sflag:$0x5] =	stream.indirect.gather [spmem:s3], $0x8, s6, s19, $0xb8;
	[tilespmem:$0x86B0] =	vst v63  }
0x4c: {  	_ =	swait.ge [sflag:s0], $0x3E8  }
0x4d: {  	[sflag:s0] =	ssyncset.done $0x0  }
0x4e: {  	s5 =	simm.s32 $0x3A30;
	[sflag:s0] =	ssyncadd.s32 $0xFFFFFC18  }
0x4f: {  	[tilespmem:s26], [sflag:$0x6] =	stream.indirect.gather [spmem:s3], $0x8, s5, s19, $0xb8;
	[tilespmem:$0x86B0] =	vst v63  }
0x50: {  	_ =	swait.ge [sflag:s28], $0x3E8  }
0x51: {  	[sflag:s28] =	ssyncset.done $0x0  }
0x52: {  	s6 =	simm.s32 $0x60B0;
	[sflag:s28] =	ssyncadd.s32 $0xFFFFFC18  }
0x53: {  	[spmem:s2] =	stream.indirect.scatter.add.f32 [tilespmem:s20], [sflag:$0x7], $0x8, s6, s19, $0xb8;
	[tilespmem:$0x86B0] =	vst v63  }
0x54: {  	_ =	swait.ge [sflag:s29], $0x3E8  }
0x55: {  	[sflag:s29] =	ssyncset.done $0x0  }
0x56: {  	s5 =	simm.s32 $0x6130;
	[sflag:s29] =	ssyncadd.s32 $0xFFFFFC18  }
0x57: {  	[spmem:s2] =	stream.indirect.scatter.add.f32 [tilespmem:s22], [sflag:$0x8], $0x8, s5, s19, $0xb8;
	[tilespmem:$0x86B0] =	vst v63  }
0x58: {  	_ =	swait.ge [sflag:s31], $0x3E8  }
0x59: {  	[sflag:s31] =	ssyncset.done $0x0  }
0x5a: {  	s6 =	simm.s32 $0x61B0;
	[sflag:s31] =	ssyncadd.s32 $0xFFFFFC18  }
0x5b: {  	[spmem:s2] =	stream.indirect.scatter.add.f32 [tilespmem:s24], [sflag:$0x9], $0x8, s6, s19, $0xb8;
	[tilespmem:$0x86B0] =	vst v63  }
0x5c: {  	_ =	swait.ge [sflag:s1], $0x3E8  }
0x5d: {  	[sflag:s1] =	ssyncset.done $0x0  }
0x5e: {  	s4 =	simm.s32 $0x800;
	s5 =	simm.s32 $0x6230;
	[sflag:s1] =	ssyncadd.s32 $0xFFFFFC18  }
.LBB2_2:
0x5f: {  	[spmem:s2] =	stream.indirect.scatter.add.f32 [tilespmem:s26], [sflag:$0xA], $0x8, s5, s19, $0xb8;
	[tilespmem:$0x86B0] =	vst v63  }
0x60: {  	s5 =	smov.u32 s4  }
0x61: {  	p0 =	sne.s32 s4, $0x9000;
	s4 =	sadd.s32 $0x800, s4;
	_ =	swait.ge [sflag:s23], $0x3E8  }
0x62: {  	s5 =	sshra.s32 s5, $0x2;
	[sflag:s23] =	ssyncset.done $0x0  }
0x63: {  	s6 =	sadd.s32 $0x38B0, s5;
	[sflag:s23] =	ssyncadd.s32 $0xFFFFFC18  }
0x64: {  	[tilespmem:s20], [sflag:$0x3] =	stream.indirect.gather [spmem:s3], $0x8, s6, s19, $0xb8;
	[tilespmem:$0x86B0] =	vst v63  }
0x65: {  	_ =	swait.ge [sflag:s25], $0x3E8  }
0x66: {  	[sflag:s25] =	ssyncset.done $0x0  }
0x67: {  	s6 =	sadd.s32 $0x3930, s5;
	[sflag:s25] =	ssyncadd.s32 $0xFFFFFC18  }
0x68: {  	[tilespmem:s22], [sflag:$0x4] =	stream.indirect.gather [spmem:s3], $0x8, s6, s19, $0xb8;
	[tilespmem:$0x86B0] =	vst v63  }
0x69: {  	_ =	swait.ge [sflag:s30], $0x3E8  }
0x6a: {  	[sflag:s30] =	ssyncset.done $0x0  }
0x6b: {  	s6 =	sadd.s32 $0x39B0, s5;
	[sflag:s30] =	ssyncadd.s32 $0xFFFFFC18  }
0x6c: {  	[tilespmem:s24], [sflag:$0x5] =	stream.indirect.gather [spmem:s3], $0x8, s6, s19, $0xb8;
	[tilespmem:$0x86B0] =	vst v63  }
0x6d: {  	_ =	swait.ge [sflag:s0], $0x3E8  }
0x6e: {  	[sflag:s0] =	ssyncset.done $0x0  }
0x6f: {  	s6 =	sadd.s32 $0x3A30, s5;
	[sflag:s0] =	ssyncadd.s32 $0xFFFFFC18  }
0x70: {  	[tilespmem:s26], [sflag:$0x6] =	stream.indirect.gather [spmem:s3], $0x8, s6, s19, $0xb8;
	[tilespmem:$0x86B0] =	vst v63  }
0x71: {  	_ =	swait.ge [sflag:s28], $0x3E8  }
0x72: {  	[sflag:s28] =	ssyncset.done $0x0  }
0x73: {  	s6 =	sadd.s32 $0x60B0, s5;
	[sflag:s28] =	ssyncadd.s32 $0xFFFFFC18  }
0x74: {  	[spmem:s2] =	stream.indirect.scatter.add.f32 [tilespmem:s20], [sflag:$0x7], $0x8, s6, s19, $0xb8;
	[tilespmem:$0x86B0] =	vst v63  }
0x75: {  	_ =	swait.ge [sflag:s29], $0x3E8  }
0x76: {  	[sflag:s29] =	ssyncset.done $0x0  }
0x77: {  	s6 =	sadd.s32 $0x6130, s5;
	[sflag:s29] =	ssyncadd.s32 $0xFFFFFC18  }
0x78: {  	[spmem:s2] =	stream.indirect.scatter.add.f32 [tilespmem:s22], [sflag:$0x8], $0x8, s6, s19, $0xb8;
	[tilespmem:$0x86B0] =	vst v63  }
0x79: {  	_ =	swait.ge [sflag:s31], $0x3E8  }
0x7a: {  	[sflag:s31] =	ssyncset.done $0x0  }
.Ltmp0:
0x7b: {  	s6 =	sadd.s32 $0x61B0, s5;
	[sflag:s31] =	ssyncadd.s32 $0xFFFFFC18;
	(pc) =	sbr.rel @p0 .LBB2_2-.Ltmp0, $4  }
0x7c: {  	[spmem:s2] =	stream.indirect.scatter.add.f32 [tilespmem:s24], [sflag:$0x9], $0x8, s6, s19, $0xb8;
	[tilespmem:$0x86B0] =	vst v63  }
0x7d: {  	_ =	swait.ge [sflag:s1], $0x3E8  }
0x7e: {  	[sflag:s1] =	ssyncset.done $0x0  }
0x7f: {  	s5 =	sadd.s32 $0x6230, s5;
	[sflag:s1] =	ssyncadd.s32 $0xFFFFFC18  }
0x80: {  	[spmem:s2] =	stream.indirect.scatter.add.f32 [tilespmem:s26], [sflag:$0xA], $0x8, s5, s19, $0xb8;
	[tilespmem:$0x86B0] =	vst v63  }
0x81: {  	_ =	swait.ge [sflag:s23], $0x3E8  }
0x82: {  	[sflag:s23] =	ssyncset.done $0x0  }
0x83: {  	[sflag:s23] =	ssyncadd.s32 $0xFFFFFC18  }
0x84: {  	_ =	swait.ge [sflag:s25], $0x3E8  }
0x85: {  	[sflag:s25] =	ssyncset.done $0x0  }
0x86: {  	[sflag:s25] =	ssyncadd.s32 $0xFFFFFC18  }
0x87: {  	_ =	swait.ge [sflag:s30], $0x3E8  }
0x88: {  	[sflag:s30] =	ssyncset.done $0x0  }
0x89: {  	[sflag:s30] =	ssyncadd.s32 $0xFFFFFC18  }
0x8a: {  	_ =	swait.ge [sflag:s0], $0x3E8  }
0x8b: {  	s21 =	sadd.s32 $0x1, s21;
	[sflag:s0] =	ssyncset.done $0x0  }
0x8c: {  	p0 =	sne.s32 s21, s11;
	[sflag:s0] =	ssyncadd.s32 $0xFFFFFC18  }
.Ltmp1:
0x8d: {  	[bflag:$0x0] =	sbarrier.arrive $0xFFFF;
	(pc) =	sbr.rel @p0 .LBB2_1-.Ltmp1, $4  }
0x8e: {  	[hbm:s10], [sflag:s8] =	dma.local [spmem:s14], $0x271  }
0x8f: {  	_ =	swait.ge [sflag:s15], $0x271  }
0x90: {  	[sflag:s15] =	ssyncset.done $0x0  }
0x91: {  	[sflag:s15] =	ssyncadd.s32 $0xFFFFFD8F  }
0x92: {  	_ =	sfence.sel $0x180000  }
0x93: {  	[bflag:$0x0] =	sbarrier.arrive $0xFFFF  }
0x94: {  	_ =	strace $0x9000004D  }
0x95: {  	s0 =	stileid.u32;
	[bflag:$0x2] =	sbarrier.arrive $0xFFFF  }
0x96: {  	p0 =	sne.s32 s0, $0x0;
	s0 =	rddreg [dreg:$0x4]  }
0x97: {  	s0 =	sadd.s32 @!p0 $0x100000, s0  }
0x98: {  	[sflag:s0] =	ssyncadd.tile.s32 @!p0 $0x1;
	_ =	shalt  }
.Lfunc_end2:
_tile_overlayer_lowered:
.L_overlay_start_2:
0x99: {  	(tag) =	ssettag $0x2  }
0x9a: {  	s0 =	rddreg [dreg:$0x0];
	s2 =	stileid.u32  }
0x9b: {  	s1 =	rddreg [dreg:$0x1];
	p0 =	sne.s32 s2, $0x0  }
0x9c: {  	s3 =	rddreg [dreg:$0x2];
	[bflag:$0x3] =	sbarrier.arrive $0xFFFF;
	s2 =	simm.s32 @!p0 $0x1C0B  }
0x9d: {  	[timem:s3], [sflag:s2] =	dma.local @!p0 [hbm:s0], s1  }
0x9e: {  	s0 =	simm.s32 @!p0 $0xB  }
0x9f: {  	_ =	swait.ge @!p0 [sflag:s0], s1  }
0xa0: {  	s1 =	ssub.s32 @!p0 $0x0, s1;
	[sflag:s0] =	ssyncset.done @!p0 $0x0  }
0xa1: {  	[sflag:s0] =	ssyncadd.s32 @!p0 s1  }
0xa2: {  	[bflag:$0x3] =	sbarrier.arrive $0xFFFF  }
0xa3: {  	_ =	shalt  }

// kernel: kernel.8.cloned.1.call-start
scs
__scs_entry_jumppad:
0x0: {  	(pc) =	sbr.rel $0x88, $3  }
0x1: {  	(tag) =	ssettag $0x0;
	lr =	simm.s32 $0x1  }
0x2: {  	[smem:$0x3F9B] =	sst lr;
	_ =	strace $0xD0000000  }
0x3: {  	_ = 	snop  }
0x4: {  	_ = 	snop  }
0x5: {  	_ = 	snop  }
0x6: {  	_ = 	snop  }
0x7: {  	_ = 	snop  }
__scs_overlays_trampoline_lowered:
0x8: {  	[smem:$0x3FAA] =	sst s0  }
0x9: {  	[smem:$0x3FAB] =	sst s1  }
0xa: {  	[smem:$0x3FAC] =	sst s2  }
0xb: {  	[smem:$0x3FAD] =	sst s3  }
0xc: {  	[smem:$0x3FAE] =	sst s4  }
0xd: {  	[smem:$0x3FAF] =	sst s5  }
0xe: {  	[smem:$0x3FB0] =	sst s6  }
0xf: {  	[smem:$0x3FB1] =	sst s7  }
0x10: {  	[smem:$0x3FB2] =	sst s8  }
0x11: {  	[smem:$0x3FB3] =	sst s9;
	s0 =	simm.s32 @!p0 $0x0  }
0x12: {  	s1 =	sld [smem:$0x3F99];
	s0 =	simm.s32 @p0 $0x1  }
0x13: {  	[smem:$0x3FB4] =	sst s0;
	s0 =	simm.s32 @!p1 $0x0  }
0x14: {  	s2 =	sld [smem:$0x3F98];
	s0 =	simm.s32 @p1 $0x1  }
0x15: {  	[smem:$0x3FB5] =	sst s0;
	s0 =	simm.s32 @!p2 $0x0  }
0x16: {  	s3 =	sld [smem:$0x3FDB];
	s0 =	simm.s32 @p2 $0x1  }
0x17: {  	s4 =	simm.s32 $0x1BF5;
	[smem:$0x3FB7] =	sst s0  }
0x18: {  	s0 =	sld [smem:$0x3F9A];
	_ =	swait.ge [sflag:s4], $0x0  }
0x19: {  	s7 =	sld [smem:$0x3F9B]  }
0x1a: {  	s8 =	sadd.s32 $0xFFFFE003, lr  }
0x1b: {  	s9 =	sadd.s32 $0xFFFFFEF7, lr;
	s5 =	simm.s32 $0xFFFFFFFF;
	p2 =	slt.u32 s8, $0xFFFFF086  }
0x1c: {  	p1 =	slt.u32 s9, $0xF7A;
	s5 =	simm.s32 @!p2 $0x0  }
0x1d: {  	s5 =	simm.s32 @p1 $0x1;
	p0 =	seq.s32 s7, s2  }
0x1e: {  	s7 =	smul.u32 @!p0 $0xF7A, s2;
	p2 =	seq.s32 @!p0 s5, $0x0  }
0x1f: {  	s9 =	smul.u32 $0xF7A, s1;
	s8 =	simm.s32 @!p0 $0x1BF5;
	p2 =	por !p2, p0  }
0x20: {  	[sflag:s8] =	ssyncset.s32 @!p0 $0xFFFFF086;
	s6 =	sadd.s32 @!p0 s3, s7;
	s7 =	simm.s32 @!p0 $0x108  }
0x21: {  	s3 =	sadd.s32 s3, s9;
	s6 =	sadd.s32 @!p0 $0x88, s6;
	s7 =	simm.s32 @p2 $0x1082  }
0x22: {  	[simem:s7], [sflag:s8] =	dma.local @!p0 [hbm:s6], $0xF7A  }
0x23: {  	s9 =	sor.u32 $0xD0000000, s2;
	s6 =	simm.s32 $0x108;
	_ =	swait.ge @!p0 [sflag:s8], $0x0  }
0x24: {  	s3 =	sadd.s32 $0x88, s3;
	s6 =	simm.s32 @!p1 $0x1082;
	[sflag:s4] =	ssyncset.s32 $0xFFFFF086  }
0x25: {  	[simem:s6], [sflag:s4] =	dma.local [hbm:s3], $0xF7A  }
0x26: {  	[smem:$0x3F9B] =	sst s1;
	(tag) =	ssettag s2;
	_ =	strace s9  }
0x27: {  	s1 =	sld [smem:$0x3FAB]  }
0x28: {  	s2 =	sld [smem:$0x3FAC]  }
0x29: {  	s4 =	sld [smem:$0x3FAE]  }
0x2a: {  	p0 =	seq.s32 s5, $0x0;
	s5 =	sld [smem:$0x3FAF]  }
0x2b: {  	s6 =	sld [smem:$0x3FB0]  }
0x2c: {  	s7 =	sld [smem:$0x3FB1]  }
0x2d: {  	s3 =	simm.s32 $0x108;
	s8 =	sld [smem:$0x3FB2]  }
0x2e: {  	s3 =	simm.s32 @!p0 $0x1082;
	s9 =	sld [smem:$0x3FB3]  }
0x2f: {  	lr =	sadd.s32 s0, s3;
	s0 =	sld [smem:$0x3FAA]  }
0x30: {  	s3 =	sld [smem:$0x3FAD]  }
0x31: {  	[smem:$0x3FB6] =	sst s10  }
0x32: {  	s10 =	sld [smem:$0x3FB4];
	_ =	sdelay $0x3  }
0x33: {  	p0 =	seq.s32 s10, $0x1;
	s10 =	sld [smem:$0x3FB6];
	_ =	sdelay $0x3  }
0x34: {  	[smem:$0x3FB6] =	sst s10  }
0x35: {  	s10 =	sld [smem:$0x3FB5];
	_ =	sdelay $0x3  }
0x36: {  	p1 =	seq.s32 s10, $0x1;
	s10 =	sld [smem:$0x3FB6];
	_ =	sdelay $0x3  }
0x37: {  	[smem:$0x3FB6] =	sst s10  }
0x38: {  	s10 =	sld [smem:$0x3FB7]  }
0x39: {  	_ = 	snop;
	(pc) =	sbr.ind lr, $3  }
0x3a: {  	_ = 	snop  }
0x3b: {  	_ = 	snop  }
0x3c: {  	p2 =	seq.s32 s10, $0x1;
	s10 =	sld [smem:$0x3FB6]  }
0x3d: {  	_ =	shalt  }
0x3e: {  	_ =	shalt  }
0x3f: {  	_ =	shalt  }
0x40: {  	_ =	shalt  }
0x41: {  	_ =	shalt  }
0x42: {  	_ =	shalt  }
0x43: {  	_ =	shalt  }
0x44: {  	_ =	shalt  }
0x45: {  	_ =	shalt  }
0x46: {  	_ =	shalt  }
0x47: {  	_ =	shalt  }
0x48: {  	_ =	shalt  }
0x49: {  	_ =	shalt  }
0x4a: {  	_ =	shalt  }
0x4b: {  	_ =	shalt  }
0x4c: {  	_ =	shalt  }
0x4d: {  	_ =	shalt  }
0x4e: {  	_ =	shalt  }
0x4f: {  	_ =	shalt  }
0x50: {  	_ =	shalt  }
0x51: {  	_ =	shalt  }
0x52: {  	_ =	shalt  }
0x53: {  	_ =	shalt  }
0x54: {  	_ =	shalt  }
0x55: {  	_ =	shalt  }
0x56: {  	_ =	shalt  }
0x57: {  	_ =	shalt  }
0x58: {  	_ =	shalt  }
0x59: {  	_ =	shalt  }
0x5a: {  	_ =	shalt  }
0x5b: {  	_ =	shalt  }
0x5c: {  	_ =	shalt  }
0x5d: {  	_ =	shalt  }
0x5e: {  	_ =	shalt  }
0x5f: {  	_ =	shalt  }
0x60: {  	_ =	shalt  }
0x61: {  	_ =	shalt  }
0x62: {  	_ =	shalt  }
0x63: {  	_ =	shalt  }
0x64: {  	_ =	shalt  }
0x65: {  	_ =	shalt  }
0x66: {  	_ =	shalt  }
0x67: {  	_ =	shalt  }
0x68: {  	_ =	shalt  }
0x69: {  	_ =	shalt  }
0x6a: {  	_ =	shalt  }
0x6b: {  	_ =	shalt  }
0x6c: {  	_ =	shalt  }
0x6d: {  	_ =	shalt  }
0x6e: {  	_ =	shalt  }
0x6f: {  	_ =	shalt  }
0x70: {  	_ =	shalt  }
0x71: {  	_ =	shalt  }
0x72: {  	_ =	shalt  }
0x73: {  	_ =	shalt  }
0x74: {  	_ =	shalt  }
0x75: {  	_ =	shalt  }
0x76: {  	_ =	shalt  }
0x77: {  	_ =	shalt  }
0x78: {  	_ =	shalt  }
0x79: {  	_ =	shalt  }
0x7a: {  	_ =	shalt  }
0x7b: {  	_ =	shalt  }
0x7c: {  	_ =	shalt  }
0x7d: {  	_ =	shalt  }
0x7e: {  	_ =	shalt  }
0x7f: {  	_ =	shalt  }
0x80: {  	_ =	shalt  }
0x81: {  	_ =	shalt  }
0x82: {  	_ =	shalt  }
0x83: {  	_ =	shalt  }
0x84: {  	_ =	shalt  }
0x85: {  	_ =	shalt  }
0x86: {  	_ =	shalt  }
0x87: {  	_ =	shalt  }
.Lfunc_end0:
.L_simem_size_0:
called_computation_lowered:
.L_overlay_start_0:
0x88: {  	s2 =	sld [smem:$0x3FD9]  }
0x89: {  	s3 =	sld [smem:$0x3FFE];
	_ =	sdelay $0x1  }
0x8a: {  	s1 =	srdreg.scid  }
0x8b: {  	s0 =	sand.u32 $0x1, s1  }
0x8c: {  	s17 =	sshll.u32 s0, $0xA;
	s2 =	sadd.s32 s3, s2  }
0x8d: {  	s2 =	sadd.s32 s2, s17  }
0x8e: {  	[smem:$0x3FC2] =	sst s2  }
0x8f: {  	_ = 	snop  }
0x90: {  	s2 =	sld [smem:$0x3FD0];
	(tm) =	ssettm $0x1  }
0x91: {  	s18 =	sld [smem:$0x3FFB];
	_ =	sdelay $0x3  }
0x92: {  	_ =	strace s18  }
0x93: {  	s3 =	sld [smem:$0x3FFC];
	_ =	sdelay $0x3  }
0x94: {  	_ =	strace s3  }
0x95: {  	s3 =	sld [smem:$0x3FFD];
	_ =	sdelay $0x3  }
0x96: {  	_ =	strace s3  }
0x97: {  	_ =	strace $0x8FFFFFFF  }
0x98: {  	s19 =	sld [smem:$0x3FDB];
	_ =	sdelay $0x1  }
0x99: {  	s4 =	simm.s32 $_scs_section_size  }
0x9a: {  	s5 =	simm.s32 $_size__tile_overlayer_lowered;
	s6 =	simm.s32 $_tile_overlayer_lowered  }
0x9b: {  	s22 =	simm.s32 $0x1BFF;
	s21 =	sshll.u32 s6, $0x1;
	s3 =	sadd.s32 s4, s19  }
0x9c: {  	s7 =	simm.s32 $0x0;
	s20 =	sshll.u32 s5, $0x1;
	s5 =	sadd.s32 s21, s3  }
0x9d: {  	[timem:s7], [sflag:s22] =	dma.local [hbm:s5], s20  }
0x9e: {  	_ =	swait.ge [sflag:s22], s20  }
0x9f: {  	s4 =	ssub.s32 $0x0, s20;
	[sflag:s22] =	ssyncset.done $0x0  }
0xa0: {  	[sflag:s22] =	ssyncadd.s32 s4;
	_ =	sdelay $0x1  }
0xa1: {  	s23 =	simm.s32 $0x1B8B  }
0xa2: {  	_ =	swait.ge [sflag:s23], $0x1  }
0xa3: {  	[sflag:s23] =	ssyncset.done $0x0  }
0xa4: {  	s25 =	simm.s32 $0x1B8E;
	s24 =	sld [smem:$0x3FFE];
	[sflag:s23] =	ssyncadd.s32 $0xFFFFFFFF  }
0xa5: {  	s26 =	simm.s32 $execute0_lowered;
	[smem:$0x3FD2] =	sst s25  }
0xa6: {  	s5 =	sshll.u32 s26, $0x1;
	_ =	strace $0x80000046;
	[dreg:$0x1] =	wrdreg $0xFFFFFFFF  }
0xa7: {  	s28 =	simm.s32 $_size_execute0_lowered;
	s3 =	sadd.s32 s3, s5;
	[dreg:$0x0] =	wrdreg $0x0  }
0xa8: {  	s5 =	sshll.u32 s28, $0x1;
	[dreg:$0x2] =	wrdreg s3  }
0xa9: {  	[dreg:$0x3] =	wrdreg s5  }
0xaa: {  	[dreg:$0x4] =	wrdreg $0xC0  }
0xab: {  	_ =	task [dreg:s7], $0x5FFFF  }
0xac: {  	[dreg:$0x1] =	wrdreg $0xFFFFFFFF  }
0xad: {  	[dreg:$0x0] =	wrdreg $0x60  }
0xae: {  	[dreg:$0x2] =	wrdreg s24  }
0xaf: {  	[dreg:$0x3] =	wrdreg s2  }
0xb0: {  	[dreg:$0x4] =	wrdreg $0x0  }
0xb1: {  	[dreg:$0x5] =	wrdreg $0x9  }
0xb2: {  	_ =	task.clear_ibuf [dreg:s7], $0x6FFFF;
	_ =	strace $0x90000046  }
0xb3: {  	s29 =	simm.s32 $0x9;
	_ =	strace $0x80000048  }
0xb4: {  	_ =	swait.ge [sflag:s29], $0x1  }
0xb5: {  	[sflag:s29] =	ssyncadd.s32 $0xFFFFFFFF  }
0xb6: {  	_ =	strace $0x90000048  }
0xb7: {  	_ =	sfence  }
0xb8: {  	s30 =	sld [smem:$0x0];
	_ =	sdelay $0x2  }
0xb9: {  	s31 =	sshll.u32 s1, $0xD;
	s1 =	sshrl.u32 s1, $0x2  }
0xba: {  	s3 =	sand.u32 $0x4000, s31;
	s1 =	sadd.s32 s1, s30  }
0xbb: {  	s0 =	sor.u32 s3, s0;
	s1 =	sshll.u32 s1, $0x11  }
0xbc: {  	s0 =	sor.u32 s1, s0  }
0xbd: {  	s0 =	sadd.s32 $0x8F2B, s0  }
0xbe: {  	[sflag:s0] =	ssyncadd.remote.s32 $0x1  }
0xbf: {  	_ =	sfence.sel $0xFFFF  }
0xc0: {  	[dreg:$0x0] =	wrdreg $0xFFFFFFFF;
	(pc) =	sbr.abs _section_cstart, $3  }
0xc1: {  	[dreg:$0x1] =	wrdreg $0xFFFFFFFF  }
0xc2: {  	_ =	task.clear_ibuf [dreg:s7], $0x2FFFF;
	_ =	strace $0x9FFFFFFF  }
0xc3: {  	(tm) =	ssettm $0x7FFFFFFF  }
tec
execute0_lowered:
.L_overlay_start_1:
0x0: {  	(tag) =	ssettag $0x1  }
0x1: {  	s5 =	rddreg [dreg:$0x0]  }
0x2: {  	s1 =	srdreg.scid;
	s6 =	rddreg [dreg:$0x1]  }
0x3: {  	s0 =	stileid.u32;
	s2 =	rddreg [dreg:$0x2];
	s3 =	simm.s32 $0x0  }
0x4: {  	s12 =	simm.s32 $0x6;
	s13 =	simm.s32 $0x1388;
	s14 =	simm.s32 $0x1  }
0x5: {  	s15 =	simm.s32 $0x7D;
	s16 =	simm.s32 $0x17F0;
	s17 =	simm.s32 $0x1870  }
0x6: {  	s18 =	simm.s32 $0x18F0;
	s19 =	simm.s32 $0x2;
	s20 =	simm.s32 $0x3  }
0x7: {  	s21 =	simm.s32 $0x4;
	s22 =	simm.s32 $0x5;
	s23 =	simm.s32 $0x0  }
0x8: {  	s4 =	sand.u32 $0x1, s1;
	s28 =	sshll.u32 s0, $0x1;
	s8 =	smul.u32 $0x1388, s0  }
0x9: {  	[smem:$0x7FF] =	sst s3;
	s31 =	sshll.u32 s0, $0x6;
	s1 =	sor.u32 s4, s28  }
0xa: {  	s9 =	smul.u32 $0x13880, s4;
	s10 =	ssub.s32 $0x2, s4;
	s4 =	sadd.s32 $0xB600, s5  }
0xb: {  	s7 =	smul.u32 $0x500, s1;
	s1 =	rddreg [dreg:$0x3];
	_ =	strace $0x80000047  }
0xc: {  	s11 =	sshrl.u32 s10, $0x1;
	s29 =	sadd.s32 s8, s2;
	s30 =	sshrl.u32 s8, $0x3  }
0xd: {  	s9 =	sadd.s32 s8, s9;
	s10 =	ssub.s32 s10, s11;
	s6 =	sadd.s32 s6, s30  }
0xe: {  	s11 =	sshrl.u32 s29, $0x3;
	s7 =	sadd.s32 s7, s5;
	s9 =	sshrl.u32 s9, $0x3  }
0xf: {  	s9 =	sadd.s32 s9, s5;
	s5 =	sadd.s32 $0x1600, s7;
	s7 =	sor.u32 $0x1C06, s31  }
0x10: {  	s8 =	sadd.s32 $0xB800, s9;
	s9 =	smax.u32 s10, $0x1;
	s10 =	simm.s32 $0x1770  }
.LBB2_1:
0x11: {  	[tilespmem:s10], [sflag:$0x1] =	stream.linear.gather [hbm4b:s5+s3], $0x2800, $0x38;
	[tilespmem:$0x3F70] =	vst v63  }
0x12: {  	[spmem:s11], [sflag:s7] =	dma.local [hbm:s6], $0x271  }
0x13: {  	_ =	swait.ge [sflag:s12], $0x271  }
0x14: {  	[sflag:s12] =	ssyncset.done $0x0  }
0x15: {  	[sflag:s12] =	ssyncadd.s32 $0xFFFFFD8F  }
0x16: {  	[tilespmem:s13], [sflag:$0x6] =	stream.linear.gather [hbm4b:s4+s3], $0x3E8, $0x38;
	[tilespmem:$0x3F70] =	vst v63  }
0x17: {  	_ =	swait.ge [sflag:s12], $0x3E8  }
0x18: {  	[sflag:s12] =	ssyncset.done $0x0  }
0x19: {  	[sflag:s12] =	ssyncadd.s32 $0xFFFFFC18  }
0x1a: {  	[bflag:$0x0] =	sbarrier.arrive $0xFFFF  }
0x1b: {  	_ =	swait.ge [sflag:s14], $0x2800  }
0x1c: {  	[sflag:s14] =	ssyncset.done $0x0  }
0x1d: {  	[sflag:s14] =	ssyncadd.s32 $0xFFFFD800  }
0x1e: {  	[spmem:s2] =	stream.indirect.scatter.add.f32 [tilespmem:s13], [sflag:$0x2], $0x8, s10, s15, $0xb8;
	[tilespmem:$0x3F70] =	vst v63  }
0x1f: {  	_ = 	snop  }
0x20: {  	[spmem:s2] =	stream.indirect.scatter.add.f32 [tilespmem:s13], [sflag:$0x3], $0x8, s16, s15, $0xb8;
	[tilespmem:$0x3F70] =	vst v63  }
0x21: {  	_ = 	snop  }
0x22: {  	[spmem:s2] =	stream.indirect.scatter.add.f32 [tilespmem:s13], [sflag:$0x4], $0x8, s17, s15, $0xb8;
	[tilespmem:$0x3F70] =	vst v63  }
0x23: {  	_ = 	snop  }
0x24: {  	[spmem:s2] =	stream.indirect.scatter.add.f32 [tilespmem:s13], [sflag:$0x5], $0x8, s18, s15, $0xb8;
	[tilespmem:$0x3F70] =	vst v63  }
0x25: {  	_ =	swait.ge [sflag:s19], $0x3E8  }
0x26: {  	[sflag:s19] =	ssyncset.done $0x0  }
0x27: {  	s24 =	simm.s32 $0x1970;
	[sflag:s19] =	ssyncadd.s32 $0xFFFFFC18  }
0x28: {  	[spmem:s2] =	stream.indirect.scatter.add.f32 [tilespmem:s13], [sflag:$0x2], $0x8, s24, s15, $0xb8;
	[tilespmem:$0x3F70] =	vst v63  }
0x29: {  	_ =	swait.ge [sflag:s20], $0x3E8  }
0x2a: {  	[sflag:s20] =	ssyncset.done $0x0  }
0x2b: {  	s30 =	simm.s32 $0x19F0;
	[sflag:s20] =	ssyncadd.s32 $0xFFFFFC18  }
0x2c: {  	[spmem:s2] =	stream.indirect.scatter.add.f32 [tilespmem:s13], [sflag:$0x3], $0x8, s30, s15, $0xb8;
	[tilespmem:$0x3F70] =	vst v63  }
0x2d: {  	_ =	swait.ge [sflag:s21], $0x3E8  }
0x2e: {  	[sflag:s21] =	ssyncset.done $0x0  }
0x2f: {  	s31 =	simm.s32 $0x1A70;
	[sflag:s21] =	ssyncadd.s32 $0xFFFFFC18  }
0x30: {  	[spmem:s2] =	stream.indirect.scatter.add.f32 [tilespmem:s13], [sflag:$0x4], $0x8, s31, s15, $0xb8;
	[tilespmem:$0x3F70] =	vst v63  }
0x31: {  	_ =	swait.ge [sflag:s22], $0x3E8  }
0x32: {  	[sflag:s22] =	ssyncset.done $0x0  }
0x33: {  	s25 =	simm.s32 $0x1AF0;
	s24 =	simm.s32 $0xFFFF7000;
	[sflag:s22] =	ssyncadd.s32 $0xFFFFFC18  }
.LBB2_2:
0x34: {  	[spmem:s2] =	stream.indirect.scatter.add.f32 [tilespmem:s13], [sflag:$0x5], $0x8, s25, s15, $0xb8;
	[tilespmem:$0x3F70] =	vst v63  }
0x35: {  	s25 =	smov.u32 s24  }
0x36: {  	p0 =	sne.s32 s24, $0xFFFFF800;
	s24 =	sadd.s32 $0x800, s24;
	_ =	swait.ge [sflag:s19], $0x3E8  }
0x37: {  	s25 =	sshra.s32 s25, $0x2;
	[sflag:s19] =	ssyncset.done $0x0  }
0x38: {  	s26 =	sadd.s32 $0x3F70, s25;
	[sflag:s19] =	ssyncadd.s32 $0xFFFFFC18  }
0x39: {  	[spmem:s2] =	stream.indirect.scatter.add.f32 [tilespmem:s13], [sflag:$0x2], $0x8, s26, s15, $0xb8;
	[tilespmem:$0x3F70] =	vst v63  }
0x3a: {  	_ =	swait.ge [sflag:s20], $0x3E8  }
0x3b: {  	[sflag:s20] =	ssyncset.done $0x0  }
0x3c: {  	s26 =	sadd.s32 $0x3FF0, s25;
	[sflag:s20] =	ssyncadd.s32 $0xFFFFFC18  }
0x3d: {  	[spmem:s2] =	stream.indirect.scatter.add.f32 [tilespmem:s13], [sflag:$0x3], $0x8, s26, s15, $0xb8;
	[tilespmem:$0x3F70] =	vst v63  }
0x3e: {  	_ =	swait.ge [sflag:s21], $0x3E8  }
0x3f: {  	[sflag:s21] =	ssyncset.done $0x0  }
.Ltmp0:
0x40: {  	s26 =	sadd.s32 $0x4070, s25;
	[sflag:s21] =	ssyncadd.s32 $0xFFFFFC18;
	(pc) =	sbr.rel @p0 .LBB2_2-.Ltmp0, $4  }
0x41: {  	[spmem:s2] =	stream.indirect.scatter.add.f32 [tilespmem:s13], [sflag:$0x4], $0x8, s26, s15, $0xb8;
	[tilespmem:$0x3F70] =	vst v63  }
0x42: {  	_ =	swait.ge [sflag:s22], $0x3E8  }
0x43: {  	[sflag:s22] =	ssyncset.done $0x0  }
0x44: {  	s25 =	sadd.s32 $0x40F0, s25;
	[sflag:s22] =	ssyncadd.s32 $0xFFFFFC18  }
0x45: {  	[spmem:s2] =	stream.indirect.scatter.add.f32 [tilespmem:s13], [sflag:$0x5], $0x8, s25, s15, $0xb8;
	[tilespmem:$0x3F70] =	vst v63  }
0x46: {  	_ =	swait.ge [sflag:s19], $0x3E8  }
0x47: {  	[sflag:s19] =	ssyncset.done $0x0  }
0x48: {  	[sflag:s19] =	ssyncadd.s32 $0xFFFFFC18  }
0x49: {  	_ =	swait.ge [sflag:s20], $0x3E8  }
0x4a: {  	[sflag:s20] =	ssyncset.done $0x0  }
0x4b: {  	[sflag:s20] =	ssyncadd.s32 $0xFFFFFC18  }
0x4c: {  	_ =	swait.ge [sflag:s21], $0x3E8  }
0x4d: {  	[sflag:s21] =	ssyncset.done $0x0  }
0x4e: {  	[sflag:s21] =	ssyncadd.s32 $0xFFFFFC18  }
0x4f: {  	_ =	swait.ge [sflag:s22], $0x3E8  }
0x50: {  	s23 =	sadd.s32 $0x1, s23;
	[sflag:s22] =	ssyncset.done $0x0  }
0x51: {  	p0 =	sne.s32 s23, s9;
	[sflag:s22] =	ssyncadd.s32 $0xFFFFFC18  }
.Ltmp1:
0x52: {  	[bflag:$0x0] =	sbarrier.arrive $0xFFFF;
	(pc) =	sbr.rel @p0 .LBB2_1-.Ltmp1, $4  }
0x53: {  	[hbm:s8], [sflag:s7] =	dma.local [spmem:s11], $0x271  }
0x54: {  	_ =	swait.ge [sflag:s12], $0x271  }
0x55: {  	[sflag:s12] =	ssyncset.done $0x0  }
0x56: {  	[sflag:s12] =	ssyncadd.s32 $0xFFFFFD8F  }
0x57: {  	_ =	sfence.sel $0x180000  }
0x58: {  	[bflag:$0x0] =	sbarrier.arrive $0xFFFF  }
0x59: {  	p0 =	sne.s32 s0, $0x0;
	_ =	strace $0x90000047  }
0x5a: {  	s0 =	sadd.s32 @!p0 $0x100000, s1;
	[bflag:$0x2] =	sbarrier.arrive $0xFFFF  }
0x5b: {  	[sflag:s0] =	ssyncadd.tile.s32 @!p0 $0x1;
	_ =	shalt  }
.Lfunc_end2:
_tile_overlayer_lowered:
.L_overlay_start_2:
0x5c: {  	(tag) =	ssettag $0x2  }
0x5d: {  	s0 =	rddreg [dreg:$0x0];
	s2 =	stileid.u32  }
0x5e: {  	s1 =	rddreg [dreg:$0x1];
	p0 =	sne.s32 s2, $0x0  }
0x5f: {  	s3 =	rddreg [dreg:$0x2];
	[bflag:$0x3] =	sbarrier.arrive $0xFFFF;
	s2 =	simm.s32 @!p0 $0x1C06  }
0x60: {  	[timem:s3], [sflag:s2] =	dma.local @!p0 [hbm:s0], s1  }
0x61: {  	s0 =	simm.s32 @!p0 $0x6  }
0x62: {  	_ =	swait.ge @!p0 [sflag:s0], s1  }
0x63: {  	s1 =	ssub.s32 @!p0 $0x0, s1;
	[sflag:s0] =	ssyncset.done @!p0 $0x0  }
0x64: {  	[sflag:s0] =	ssyncadd.s32 @!p0 s1  }
0x65: {  	[bflag:$0x3] =	sbarrier.arrive $0xFFFF  }
0x66: {  	_ =	shalt  }

</sc_bundles>
